<compile_context>
chip_gen: v7x
topology: tpu7x:2x2x1
jax: 0.10.2.dev20260603
libtpu: 0.0.44.dev20260713+nightly
codegen_flags: <defaults>
</compile_context>

<pallas_src>
import jax
import jax.numpy as jnp
from jax import lax
from jax.experimental import pallas as pl
from jax.experimental.pallas import tpu as pltpu
from jax.experimental.pallas import tpu_sc as plsc

N = 10000
FD = 128
NC = 2
NS = 16
NW = NC * NS
CHUNK = 128
NPAD = N + 112
DUMP = N
RPT = NPAD // NS
EPS = 1e-5



def _deg_body(dst_hbm, out_hbm, acc, dsti, ones_v, zeros_v):
    cid = lax.axis_index("c")
    sid = lax.axis_index("s")
    wid = cid * NS + sid
    nch = dst_hbm.shape[1]

    @pl.loop(0, CHUNK)
    def _(i):
        ones_v[i] = jnp.ones((16,), jnp.float32)

    @pl.loop(0, RPT)
    def _(i):
        zeros_v[i] = jnp.zeros((16,), jnp.float32)

    pltpu.sync_copy(zeros_v, acc.at[pl.ds(sid * RPT, RPT)])
    plsc.subcore_barrier()
    pltpu.sync_copy(dst_hbm.at[wid], dsti)

    @pl.loop(0, nch)
    def _(j):
        pltpu.sync_copy(ones_v, acc.at[dsti.at[j]], add=True)

    plsc.subcore_barrier()
    pltpu.sync_copy(acc.at[pl.ds(sid * RPT, RPT)],
                    out_hbm.at[cid, pl.ds(sid * RPT, RPT)])


def _agg_body(g_hbm, src_hbm, dst_hbm, out_hbm, acc, srci, dsti, rows):
    cid = lax.axis_index("c")
    sid = lax.axis_index("s")
    wid = cid * NS + sid
    nch = src_hbm.shape[1]
    last = NS - 1

    @pl.when(sid < last)
    def _():
        pltpu.sync_copy(g_hbm.at[pl.ds(sid * RPT, RPT)],
                        acc.at[pl.ds(sid * RPT, RPT)])

    @pl.when(sid == last)
    def _():
        r0 = last * RPT
        pltpu.sync_copy(g_hbm.at[pl.ds(r0, N - r0)], acc.at[pl.ds(r0, N - r0)])
        pltpu.sync_copy(g_hbm.at[pl.ds(0, NPAD - N)], acc.at[pl.ds(N, NPAD - N)])

    plsc.subcore_barrier()
    pltpu.sync_copy(src_hbm.at[wid], srci)
    pltpu.sync_copy(dst_hbm.at[wid], dsti)

    @pl.loop(0, nch)
    def _(j):
        pltpu.sync_copy(g_hbm.at[srci.at[j]], rows)
        pltpu.sync_copy(rows, acc.at[dsti.at[j]], add=True)

    plsc.subcore_barrier()
    pltpu.sync_copy(acc.at[pl.ds(sid * RPT, RPT)],
                    out_hbm.at[cid, pl.ds(sid * RPT, RPT)])


def _sc_mesh():
    return plsc.VectorSubcoreMesh(core_axis_name="c", subcore_axis_name="s",
                                  num_cores=NC, num_subcores=NS)


def _deg_call(dst_r):
    nch = dst_r.shape[1]
    f = pl.kernel(
        _deg_body,
        out_type=jax.ShapeDtypeStruct((NC, NPAD, 16), jnp.float32),
        mesh=_sc_mesh(),
        scratch_types=[
            pltpu.VMEM_SHARED((NPAD, 16), jnp.float32),
            pltpu.VMEM((nch, CHUNK), jnp.int32),
            pltpu.VMEM((CHUNK, 16), jnp.float32),
            pltpu.VMEM((RPT, 16), jnp.float32),
        ],
    )
    return f(dst_r)


def _agg_call(g, src_r, dst_r):
    nch = src_r.shape[1]
    f = pl.kernel(
        _agg_body,
        out_type=jax.ShapeDtypeStruct((NC, NPAD, FD), jnp.float32),
        mesh=_sc_mesh(),
        scratch_types=[
            pltpu.VMEM_SHARED((NPAD, FD), jnp.float32),
            pltpu.VMEM((nch, CHUNK), jnp.int32),
            pltpu.VMEM((nch, CHUNK), jnp.int32),
            pltpu.VMEM((CHUNK, FD), jnp.float32),
        ],
    )
    return f(g, src_r, dst_r)



def _dinv_from(degp_ref):
    deg = degp_ref[0, :N, 0:1]
    for c in range(1, NC):
        deg = deg + degp_ref[c, :N, 0:1]
    return 1.0 / jnp.sqrt(deg + 1.0)


def _acc_sum(accp_ref, g):
    s = accp_ref[0, :N, :]
    for c in range(1, NC):
        s = s + accp_ref[c, :N, :]
    if NC > 1:
        s = s - (NC - 1.0) * g
    return s


def _acc_row(accp_ref, g_ref, c):
    s = accp_ref[0, pl.ds(c, 1), :]
    for i in range(1, NC):
        s = s + accp_ref[i, pl.ds(c, 1), :]
    if NC > 1:
        s = s - (NC - 1.0) * g_ref[pl.ds(c, 1), :]
    return s


def _prescale_body(x_ref, w_ref, degp_ref, g_ref):
    h = jnp.dot(x_ref[...], w_ref[...], preferred_element_type=jnp.float32)
    g_ref[...] = h * _dinv_from(degp_ref)


def _mid_body(accp_ref, g_ref, degp_ref, b_ref, w2_ref, g2_ref):
    dinv = _dinv_from(degp_ref)
    t = dinv * _acc_sum(accp_ref, g_ref[...]) + b_ref[...]
    mean = jnp.mean(t, axis=0, keepdims=True)
    var = jnp.mean((t - mean) ** 2, axis=0, keepdims=True)
    hbn = jnp.maximum((t - mean) * lax.rsqrt(var + EPS), 0.0)
    g2_ref[...] = jnp.dot(hbn, w2_ref[...],
                          preferred_element_type=jnp.float32) * dinv


def _final_body(curr_ref, accp_ref, g_ref, degp_ref, b_ref, part_ref,
                ps_ref, h_ref):
    dinv = _dinv_from(degp_ref)
    t = dinv * _acc_sum(accp_ref, g_ref[...]) + b_ref[...]
    mean = jnp.mean(t, axis=0, keepdims=True)
    var = jnp.mean((t - mean) ** 2, axis=0, keepdims=True)
    rs = lax.rsqrt(var + EPS)
    h = jnp.maximum((t - mean) * rs, 0.0)
    h_ref[...] = h
    c = curr_ref[0]
    degc = degp_ref[0, pl.ds(c, 1), 0:1]
    for i in range(1, NC):
        degc = degc + degp_ref[i, pl.ds(c, 1), 0:1]
    dinvc = 1.0 / jnp.sqrt(degc + 1.0)
    tcr = dinvc * _acc_row(accp_ref, g_ref, c) + b_ref[...]
    xc = jnp.maximum((tcr - mean) * rs, 0.0)
    scores = jnp.sum(h * xc, axis=1, keepdims=True)
    ps_ref[...] = jnp.sum(scores * part_ref[...], axis=0, keepdims=True)



def kernel(x, edge_index, curr_node_id, partitions, node_weights,
           W1, b1, W2, b2):
    E = edge_index.shape[1]
    ew = -(-E // (NW * CHUNK)) * CHUNK
    pad = NW * ew - E
    src = jnp.concatenate([edge_index[0], jnp.zeros((pad,), jnp.int32)])
    dst = jnp.concatenate([edge_index[1], jnp.full((pad,), DUMP, jnp.int32)])
    src_r = src.reshape(NW, ew // CHUNK, CHUNK)
    dst_r = dst.reshape(NW, ew // CHUNK, CHUNK)

    degp = _deg_call(dst_r)

    g1 = pl.pallas_call(
        _prescale_body,
        out_shape=jax.ShapeDtypeStruct((N, FD), jnp.float32),
    )(x, W1, degp)

    acc1 = _agg_call(g1, src_r, dst_r)

    g2 = pl.pallas_call(
        _mid_body,
        out_shape=jax.ShapeDtypeStruct((N, FD), jnp.float32),
    )(acc1, g1, degp, b1.reshape(1, FD), W2)

    acc2 = _agg_call(g2, src_r, dst_r)

    curr = jnp.asarray(curr_node_id, jnp.int32).reshape(1)
    ps, h = pl.pallas_call(
        _final_body,
        in_specs=[pl.BlockSpec(memory_space=pltpu.SMEM)] + [pl.BlockSpec()] * 5,
        out_shape=[
            jax.ShapeDtypeStruct((1, partitions.shape[1]), jnp.float32),
            jax.ShapeDtypeStruct((N, FD), jnp.float32),
        ],
    )(curr, acc2, g2, degp, b2.reshape(1, FD), partitions)
    return (ps, h)

# --- scband reference (transcript-rebuilt; emitter-appended) ---
"""Pipeline reference for scband-model-link-pred-38173669327417 (READ-ONLY COPY).

The authoritative reference and input builder live on the scoring server;
editing this copy changes nothing except your own understanding.
"""

import jax, jax.numpy as jnp
import numpy as np

N = 10000
E = 320000
D = 128
H = 128
P = 100


def setup_inputs(seed: int = 0) -> dict:
    key = jax.random.key(seed)
    ks = jax.random.split(key, 8)
    x = jax.random.normal(ks[0], (N, D), dtype=jnp.float32)
    edge_index = jax.random.randint(ks[1], (2, E), 0, N, dtype=jnp.int32)
    curr_node_id = 1234
    partitions = jax.random.uniform(ks[2], (N, P), dtype=jnp.float32)
    node_weights = jax.random.normal(ks[3], (N,), dtype=jnp.float32)
    # learned params: GCNConv layer 1 (D->H) and layer 2 (H->H), each Linear weight + bias
    W1 = jax.random.normal(ks[4], (D, H), dtype=jnp.float32) * (1.0 / np.sqrt(D))
    b1 = jnp.zeros((H,), dtype=jnp.float32)
    W2 = jax.random.normal(ks[5], (H, H), dtype=jnp.float32) * (1.0 / np.sqrt(H))
    b2 = jnp.zeros((H,), dtype=jnp.float32)
    return {"x": x, "edge_index": edge_index, "curr_node_id": curr_node_id,
            "partitions": partitions, "node_weights": node_weights,
            "W1": W1, "b1": b1, "W2": W2, "b2": b2}


def _batch_norm(h):
    # BatchNorm1d(track_running_stats=False, affine=False): normalize with batch stats
    mean = jnp.mean(h, axis=0)
    var = jnp.var(h, axis=0)
    return (h - mean) / jnp.sqrt(var + 1e-5)


def _gcn_conv(x, src, dst, W, b):
    # PyG GCNConv: x' = D^{-1/2} (A + I) D^{-1/2} X W + b (self-loops already appended to src/dst)
    n = x.shape[0]
    h = x @ W
    deg = jnp.zeros((n,), dtype=h.dtype).at[dst].add(1.0)
    dinv = 1.0 / jnp.sqrt(deg)
    dinv = jnp.where(jnp.isinf(dinv), 0.0, dinv)
    norm = dinv[src] * dinv[dst]
    msgs = h[src] * norm[:, None]
    out = jnp.zeros_like(h).at[dst].add(msgs)
    return out + b


def reference(x, edge_index, curr_node_id, partitions, node_weights, W1, b1, W2, b2):
    n = x.shape[0]
    loops = jnp.arange(n, dtype=edge_index.dtype)
    src = jnp.concatenate([edge_index[0], loops])
    dst = jnp.concatenate([edge_index[1], loops])
    h = _gcn_conv(x, src, dst, W1, b1)
    h = _batch_norm(h)
    h = jax.nn.relu(h)
    h = _gcn_conv(h, src, dst, W2, b2)
    h = _batch_norm(h)
    h = jax.nn.relu(h)
    # scoring_func == 'dot'
    x_curr = h[curr_node_id].reshape(1, h.shape[1])
    scores = h @ x_curr.T  # [N, 1]
    # pool == 'sum'
    partition_scores = scores.T @ partitions  # [1, P]
    return (partition_scores, h)

if __name__ == "__main__":
    import jax
    _d = setup_inputs()
    print(jax.jit(kernel)(*tuple(_d.values())))

</pallas_src>

<mosaic_0001>
#map = affine_map<(d0, d1) -> (0, 0, 0)>
module attributes {stable_mosaic.version = 14 : i64} {
  func.func @_deg_body(%arg0: i32, %arg1: i32, %arg2: memref<32x79x128xi32, #tpu.memory_space<hbm>>, %arg3: memref<2x10112x16xf32, #tpu.memory_space<hbm>>, %arg4: memref<10112x16xf32, #tpu.memory_space<vmem_shared>>, %arg5: memref<79x128xi32, #tpu.memory_space<vmem>>, %arg6: memref<128x16xf32, #tpu.memory_space<vmem>>, %arg7: memref<632x16xf32, #tpu.memory_space<vmem>>) attributes {dimension_semantics = [#tpu.dimension_semantics<core_parallel>, #tpu.dimension_semantics<subcore_parallel>], iteration_bounds = array<i64: 2, 16>, scalar_prefetch = 0 : i64, scratch_operands = 4 : i64, tpu.core_type = #tpu.core_type<sc_vector_subcore>, window_params = [{transform_indices = #map}, {transform_indices = #map}]} {
    %mul3A = arith.constant 16 : i32
    %mul3A_0 = arith.muli %arg0, %mul3A : i32
    %add3A = arith.addi %mul3A_0, %arg1 : i32
    %scan3A = arith.constant 0 : i32
    %scan3A_1 = arith.constant 128 : i32
    %scan3A_2 = arith.addi %scan3A, %scan3A_1 : i32
    %scan3A_3 = arith.constant 1 : i32
    scf.for %scan3A_22 = %scan3A to %scan3A_2 step %scan3A_3  : i32 {
      %mul3A_23 = arith.constant 1 : i32
      %mul3A_24 = arith.muli %scan3A_22, %mul3A_23 : i32
      %add3A_25 = arith.constant 0 : i32
      %add3A_26 = arith.addi %add3A_25, %mul3A_24 : i32
      %broadcast_in_dim3A = arith.constant 1.000000e+00 : f32
      %broadcast_in_dim3A_27 = vector.broadcast %broadcast_in_dim3A : f32 to vector<16xf32>
      %swap3A = arith.index_cast %add3A_26 : i32 to index
      %swap3A_28 = arith.constant 0 : index
      %swap3A_29 = tpu.vector_load %arg6[%swap3A, %swap3A_28] {strides = array<i32>} : memref<128x16xf32, #tpu.memory_space<vmem>>, vector<1x16xf32>,
      %swap3A_30 = vector.shape_cast %swap3A_29 : vector<1x16xf32> to vector<16xf32>
      %swap3A_31 = vector.shape_cast %broadcast_in_dim3A_27 : vector<16xf32> to vector<1x16xf32>
      tpu.vector_store %arg6[%swap3A, %swap3A_28], %swap3A_31 {strides = array<i32>} : memref<128x16xf32, #tpu.memory_space<vmem>>, vector<1x16xf32>,
    }
    %scan3A_4 = arith.constant 128 : i32
    %scan3A_5 = arith.constant 0 : i32
    %scan3A_6 = arith.constant 632 : i32
    %scan3A_7 = arith.addi %scan3A_5, %scan3A_6 : i32
    %scan3A_8 = arith.constant 1 : i32
    scf.for %scan3A_22 = %scan3A_5 to %scan3A_7 step %scan3A_8  : i32 {
      %mul3A_23 = arith.constant 1 : i32
      %mul3A_24 = arith.muli %scan3A_22, %mul3A_23 : i32
      %add3A_25 = arith.constant 0 : i32
      %add3A_26 = arith.addi %add3A_25, %mul3A_24 : i32
      %broadcast_in_dim3A = arith.constant 0.000000e+00 : f32
      %broadcast_in_dim3A_27 = vector.broadcast %broadcast_in_dim3A : f32 to vector<16xf32>
      %swap3A = arith.index_cast %add3A_26 : i32 to index
      %swap3A_28 = arith.constant 0 : index
      %swap3A_29 = tpu.vector_load %arg7[%swap3A, %swap3A_28] {strides = array<i32>} : memref<632x16xf32, #tpu.memory_space<vmem>>, vector<1x16xf32>,
      %swap3A_30 = vector.shape_cast %swap3A_29 : vector<1x16xf32> to vector<16xf32>
      %swap3A_31 = vector.shape_cast %broadcast_in_dim3A_27 : vector<16xf32> to vector<1x16xf32>
      tpu.vector_store %arg7[%swap3A, %swap3A_28], %swap3A_31 {strides = array<i32>} : memref<632x16xf32, #tpu.memory_space<vmem>>, vector<1x16xf32>,
    }
    %scan3A_9 = arith.constant 632 : i32
    %mul3A_10 = arith.constant 632 : i32
    %mul3A_11 = arith.muli %arg1, %mul3A_10 : i32
    "tpu.region"() ({
      %run_scoped3A = tpu.sem_alloc : memref<!tpu.dma_semaphore, #tpu.memory_space<semaphore_mem>>
      %dma_start3A = arith.constant 0 : i32
      %dma_start3A_22 = tpu.memref_slice %arg4[%mul3A_11, %dma_start3A] : memref<10112x16xf32, #tpu.memory_space<vmem_shared>> -> memref<632x16xf32, #tpu.memory_space<vmem_shared>>
      %dma_start3A_23 = arith.constant 0 : i32
      %dma_start3A_24 = tpu.memref_slice %arg4[%mul3A_11, %dma_start3A_23] : memref<10112x16xf32, #tpu.memory_space<vmem_shared>> -> memref<632x16xf32, #tpu.memory_space<vmem_shared>>
      tpu.enqueue_dma source(%arg7 : memref<632x16xf32, #tpu.memory_space<vmem>>) target(%dma_start3A_24 : memref<632x16xf32, #tpu.memory_space<vmem_shared>>) target_semaphore(%run_scoped3A : memref<!tpu.dma_semaphore, #tpu.memory_space<semaphore_mem>>)
      %dma_wait3A = arith.constant 0 : i32
      %dma_wait3A_25 = tpu.memref_slice %arg4[%mul3A_11, %dma_wait3A] : memref<10112x16xf32, #tpu.memory_space<vmem_shared>> -> memref<632x16xf32, #tpu.memory_space<vmem_shared>>
      %dma_wait3A_26 = arith.constant 0 : i32
      %dma_wait3A_27 = tpu.memref_slice %arg4[%mul3A_11, %dma_wait3A_26] : memref<10112x16xf32, #tpu.memory_space<vmem_shared>> -> memref<632x16xf32, #tpu.memory_space<vmem_shared>>
      tpu.wait_dma2 semaphore(%run_scoped3A : memref<!tpu.dma_semaphore, #tpu.memory_space<semaphore_mem>>) src(%arg7 : memref<632x16xf32, #tpu.memory_space<vmem>>) dst(%dma_wait3A_27 : memref<632x16xf32, #tpu.memory_space<vmem_shared>>)
      tpu.yield
    }) : () -> ()
    %barrier3A = arith.constant 0 : index
    tpu.barrier barrier_id(%barrier3A)
    "tpu.region"() ({
      %run_scoped3A = tpu.sem_alloc : memref<!tpu.dma_semaphore, #tpu.memory_space<semaphore_mem>>
      %dma_start3A = arith.constant 0 : i32
      %dma_start3A_22 = arith.constant 0 : i32
      %dma_start3A_23 = tpu.memref_slice %arg2[%add3A, %dma_start3A, %dma_start3A_22] : memref<32x79x128xi32, #tpu.memory_space<hbm>> -> memref<1x79x128xi32, #tpu.memory_space<hbm>>
      %dma_start3A_24 = tpu.memref_squeeze %dma_start3A_23 : memref<1x79x128xi32, #tpu.memory_space<hbm>> -> memref<79x128xi32, #tpu.memory_space<hbm>>
      %dma_start3A_25 = arith.constant 0 : i32
      %dma_start3A_26 = arith.constant 0 : i32
      %dma_start3A_27 = tpu.memref_slice %arg2[%add3A, %dma_start3A_25, %dma_start3A_26] : memref<32x79x128xi32, #tpu.memory_space<hbm>> -> memref<1x79x128xi32, #tpu.memory_space<hbm>>
      %dma_start3A_28 = tpu.memref_squeeze %dma_start3A_27 : memref<1x79x128xi32, #tpu.memory_space<hbm>> -> memref<79x128xi32, #tpu.memory_space<hbm>>
      tpu.enqueue_dma source(%dma_start3A_28 : memref<79x128xi32, #tpu.memory_space<hbm>>) target(%arg5 : memref<79x128xi32, #tpu.memory_space<vmem>>) target_semaphore(%run_scoped3A : memref<!tpu.dma_semaphore, #tpu.memory_space<semaphore_mem>>)
      %dma_wait3A = arith.constant 0 : i32
      %dma_wait3A_29 = arith.constant 0 : i32
      %dma_wait3A_30 = tpu.memref_slice %arg2[%add3A, %dma_wait3A, %dma_wait3A_29] : memref<32x79x128xi32, #tpu.memory_space<hbm>> -> memref<1x79x128xi32, #tpu.memory_space<hbm>>
      %dma_wait3A_31 = tpu.memref_squeeze %dma_wait3A_30 : memref<1x79x128xi32, #tpu.memory_space<hbm>> -> memref<79x128xi32, #tpu.memory_space<hbm>>
      %dma_wait3A_32 = arith.constant 0 : i32
      %dma_wait3A_33 = arith.constant 0 : i32
      %dma_wait3A_34 = tpu.memref_slice %arg2[%add3A, %dma_wait3A_32, %dma_wait3A_33] : memref<32x79x128xi32, #tpu.memory_space<hbm>> -> memref<1x79x128xi32, #tpu.memory_space<hbm>>
      %dma_wait3A_35 = tpu.memref_squeeze %dma_wait3A_34 : memref<1x79x128xi32, #tpu.memory_space<hbm>> -> memref<79x128xi32, #tpu.memory_space<hbm>>
      tpu.wait_dma2 semaphore(%run_scoped3A : memref<!tpu.dma_semaphore, #tpu.memory_space<semaphore_mem>>) src(%dma_wait3A_35 : memref<79x128xi32, #tpu.memory_space<hbm>>) dst(%arg5 : memref<79x128xi32, #tpu.memory_space<vmem>>)
      tpu.yield
    }) : () -> ()
    %scan3A_12 = arith.constant 0 : i32
    %scan3A_13 = arith.constant 79 : i32
    %scan3A_14 = arith.addi %scan3A_12, %scan3A_13 : i32
    %scan3A_15 = arith.constant 1 : i32
    scf.for %scan3A_22 = %scan3A_12 to %scan3A_14 step %scan3A_15  : i32 {
      %mul3A_23 = arith.constant 1 : i32
      %mul3A_24 = arith.muli %scan3A_22, %mul3A_23 : i32
      %add3A_25 = arith.constant 0 : i32
      %add3A_26 = arith.addi %add3A_25, %mul3A_24 : i32
      "tpu.region"() ({
        %run_scoped3A = tpu.sem_alloc : memref<!tpu.dma_semaphore, #tpu.memory_space<semaphore_mem>>
        %dma_start3A = arith.constant 0 : i32
        %dma_start3A_27 = tpu.memref_slice %arg5[%add3A_26, %dma_start3A] : memref<79x128xi32, #tpu.memory_space<vmem>> -> memref<1x128xi32, #tpu.memory_space<vmem>>
        %dma_start3A_28 = tpu.memref_squeeze %dma_start3A_27 : memref<1x128xi32, #tpu.memory_space<vmem>> -> memref<128xi32, #tpu.memory_space<vmem>>
        %dma_start3A_29 = arith.constant 0 : i32
        %dma_start3A_30 = arith.constant 0 : i32
        %dma_start3A_31 = tpu.memref_slice %arg4[%dma_start3A_29, %dma_start3A_30] : memref<10112x16xf32, #tpu.memory_space<vmem_shared>> -> memref<10112x16xf32, #tpu.memory_space<vmem_shared>>
        tpu.enqueue_indirect_dma source(%arg6 : memref<128x16xf32, #tpu.memory_space<vmem>>) target(%dma_start3A_31 : memref<10112x16xf32, #tpu.memory_space<vmem_shared>>) offsets(%dma_start3A_28 : memref<128xi32, #tpu.memory_space<vmem>>) semaphore(%run_scoped3A : memref<!tpu.dma_semaphore, #tpu.memory_space<semaphore_mem>>) {add = true}
        %dma_wait3A = arith.constant 0 : i32
        %dma_wait3A_32 = tpu.memref_slice %arg5[%add3A_26, %dma_wait3A] : memref<79x128xi32, #tpu.memory_space<vmem>> -> memref<1x128xi32, #tpu.memory_space<vmem>>
        %dma_wait3A_33 = tpu.memref_squeeze %dma_wait3A_32 : memref<1x128xi32, #tpu.memory_space<vmem>> -> memref<128xi32, #tpu.memory_space<vmem>>
        %dma_wait3A_34 = arith.constant 0 : i32
        %dma_wait3A_35 = arith.constant 0 : i32
        %dma_wait3A_36 = tpu.memref_slice %arg4[%dma_wait3A_34, %dma_wait3A_35] : memref<10112x16xf32, #tpu.memory_space<vmem_shared>> -> memref<10112x16xf32, #tpu.memory_space<vmem_shared>>
        tpu.wait_indirect_dma semaphore(%run_scoped3A : memref<!tpu.dma_semaphore, #tpu.memory_space<semaphore_mem>>) src(%arg6 : memref<128x16xf32, #tpu.memory_space<vmem>>) dst(%dma_wait3A_36 : memref<10112x16xf32, #tpu.memory_space<vmem_shared>>)
        tpu.yield
      }) : () -> ()
    }
    %scan3A_16 = arith.constant 79 : i32
    %barrier3A_17 = arith.constant 0 : index
    tpu.barrier barrier_id(%barrier3A_17)
    %mul3A_18 = arith.constant 632 : i32
    %mul3A_19 = arith.muli %arg1, %mul3A_18 : i32
    %mul3A_20 = arith.constant 632 : i32
    %mul3A_21 = arith.muli %arg1, %mul3A_20 : i32
    "tpu.region"() ({
      %run_scoped3A = tpu.sem_alloc : memref<!tpu.dma_semaphore, #tpu.memory_space<semaphore_mem>>
      %dma_start3A = arith.constant 0 : i32
      %dma_start3A_22 = tpu.memref_slice %arg3[%arg0, %mul3A_21, %dma_start3A] : memref<2x10112x16xf32, #tpu.memory_space<hbm>> -> memref<1x632x16xf32, #tpu.memory_space<hbm>>
      %dma_start3A_23 = tpu.memref_squeeze %dma_start3A_22 : memref<1x632x16xf32, #tpu.memory_space<hbm>> -> memref<632x16xf32, #tpu.memory_space<hbm>>
      %dma_start3A_24 = arith.constant 0 : i32
      %dma_start3A_25 = tpu.memref_slice %arg4[%mul3A_19, %dma_start3A_24] : memref<10112x16xf32, #tpu.memory_space<vmem_shared>> -> memref<632x16xf32, #tpu.memory_space<vmem_shared>>
      tpu.enqueue_dma source(%dma_start3A_25 : memref<632x16xf32, #tpu.memory_space<vmem_shared>>) target(%dma_start3A_23 : memref<632x16xf32, #tpu.memory_space<hbm>>) target_semaphore(%run_scoped3A : memref<!tpu.dma_semaphore, #tpu.memory_space<semaphore_mem>>)
      %dma_wait3A = arith.constant 0 : i32
      %dma_wait3A_26 = tpu.memref_slice %arg3[%arg0, %mul3A_21, %dma_wait3A] : memref<2x10112x16xf32, #tpu.memory_space<hbm>> -> memref<1x632x16xf32, #tpu.memory_space<hbm>>
      %dma_wait3A_27 = tpu.memref_squeeze %dma_wait3A_26 : memref<1x632x16xf32, #tpu.memory_space<hbm>> -> memref<632x16xf32, #tpu.memory_space<hbm>>
      %dma_wait3A_28 = arith.constant 0 : i32
      %dma_wait3A_29 = tpu.memref_slice %arg4[%mul3A_19, %dma_wait3A_28] : memref<10112x16xf32, #tpu.memory_space<vmem_shared>> -> memref<632x16xf32, #tpu.memory_space<vmem_shared>>
      tpu.wait_dma2 semaphore(%run_scoped3A : memref<!tpu.dma_semaphore, #tpu.memory_space<semaphore_mem>>) src(%dma_wait3A_29 : memref<632x16xf32, #tpu.memory_space<vmem_shared>>) dst(%dma_wait3A_27 : memref<632x16xf32, #tpu.memory_space<hbm>>)
      tpu.yield
    }) : () -> ()
    return
  }
}

#map = affine_map<(d0, d1) -> (0, 0)>
#map1 = affine_map<(d0, d1) -> (0, 0, 0)>
module attributes {stable_mosaic.version = 14 : i64} {
  func.func @_agg_body(%arg0: i32, %arg1: i32, %arg2: memref<10000x128xf32, #tpu.memory_space<hbm>>, %arg3: memref<32x79x128xi32, #tpu.memory_space<hbm>>, %arg4: memref<32x79x128xi32, #tpu.memory_space<hbm>>, %arg5: memref<2x10112x128xf32, #tpu.memory_space<hbm>>, %arg6: memref<10112x128xf32, #tpu.memory_space<vmem_shared>>, %arg7: memref<79x128xi32, #tpu.memory_space<vmem>>, %arg8: memref<79x128xi32, #tpu.memory_space<vmem>>, %arg9: memref<128x128xf32, #tpu.memory_space<vmem>>) attributes {dimension_semantics = [#tpu.dimension_semantics<core_parallel>, #tpu.dimension_semantics<subcore_parallel>], iteration_bounds = array<i64: 2, 16>, scalar_prefetch = 0 : i64, scratch_operands = 4 : i64, tpu.core_type = #tpu.core_type<sc_vector_subcore>, window_params = [{transform_indices = #map}, {transform_indices = #map1}, {transform_indices = #map1}, {transform_indices = #map1}]} {
    %mul3A = arith.constant 16 : i32
    %mul3A_0 = arith.muli %arg0, %mul3A : i32
    %add3A = arith.addi %mul3A_0, %arg1 : i32
    %lt3A = arith.constant 15 : i32
    %lt3A_1 = arith.cmpi slt, %arg1, %lt3A : i32
    %convert_element_type3A = arith.extui %lt3A_1 : i1 to i32
    %cond3A = arith.constant 0 : i32
    %cond3A_2 = arith.cmpi ne, %convert_element_type3A, %cond3A : i32
    scf.if %cond3A_2 {
      %mul3A_16 = arith.constant 632 : i32
      %mul3A_17 = arith.muli %arg1, %mul3A_16 : i32
      %mul3A_18 = arith.constant 632 : i32
      %mul3A_19 = arith.muli %arg1, %mul3A_18 : i32
      "tpu.region"() ({
        %run_scoped3A = tpu.sem_alloc : memref<!tpu.dma_semaphore, #tpu.memory_space<semaphore_mem>>
        %dma_start3A = arith.constant 0 : i32
        %dma_start3A_20 = tpu.memref_slice %arg6[%mul3A_19, %dma_start3A] : memref<10112x128xf32, #tpu.memory_space<vmem_shared>> -> memref<632x128xf32, #tpu.memory_space<vmem_shared>>
        %dma_start3A_21 = arith.constant 0 : i32
        %dma_start3A_22 = tpu.memref_slice %arg2[%mul3A_17, %dma_start3A_21] : memref<10000x128xf32, #tpu.memory_space<hbm>> -> memref<632x128xf32, #tpu.memory_space<hbm>>
        tpu.enqueue_dma source(%dma_start3A_22 : memref<632x128xf32, #tpu.memory_space<hbm>>) target(%dma_start3A_20 : memref<632x128xf32, #tpu.memory_space<vmem_shared>>) target_semaphore(%run_scoped3A : memref<!tpu.dma_semaphore, #tpu.memory_space<semaphore_mem>>)
        %dma_wait3A = arith.constant 0 : i32
        %dma_wait3A_23 = tpu.memref_slice %arg6[%mul3A_19, %dma_wait3A] : memref<10112x128xf32, #tpu.memory_space<vmem_shared>> -> memref<632x128xf32, #tpu.memory_space<vmem_shared>>
        %dma_wait3A_24 = arith.constant 0 : i32
        %dma_wait3A_25 = tpu.memref_slice %arg2[%mul3A_17, %dma_wait3A_24] : memref<10000x128xf32, #tpu.memory_space<hbm>> -> memref<632x128xf32, #tpu.memory_space<hbm>>
        tpu.wait_dma2 semaphore(%run_scoped3A : memref<!tpu.dma_semaphore, #tpu.memory_space<semaphore_mem>>) src(%dma_wait3A_25 : memref<632x128xf32, #tpu.memory_space<hbm>>) dst(%dma_wait3A_23 : memref<632x128xf32, #tpu.memory_space<vmem_shared>>)
        tpu.yield
      }) : () -> ()
    } else {
    }
    %eq3A = arith.constant 15 : i32
    %eq3A_3 = arith.cmpi eq, %arg1, %eq3A : i32
    %convert_element_type3A_4 = arith.extui %eq3A_3 : i1 to i32
    %cond3A_5 = arith.constant 0 : i32
    %cond3A_6 = arith.cmpi ne, %convert_element_type3A_4, %cond3A_5 : i32
    scf.if %cond3A_6 {
      "tpu.region"() ({
        %run_scoped3A = tpu.sem_alloc : memref<!tpu.dma_semaphore, #tpu.memory_space<semaphore_mem>>
        %dma_start3A = arith.constant 9480 : i32
        %dma_start3A_16 = arith.constant 0 : i32
        %dma_start3A_17 = tpu.memref_slice %arg6[%dma_start3A, %dma_start3A_16] : memref<10112x128xf32, #tpu.memory_space<vmem_shared>> -> memref<520x128xf32, #tpu.memory_space<vmem_shared>>
        %dma_start3A_18 = arith.constant 9480 : i32
        %dma_start3A_19 = arith.constant 0 : i32
        %dma_start3A_20 = tpu.memref_slice %arg2[%dma_start3A_18, %dma_start3A_19] : memref<10000x128xf32, #tpu.memory_space<hbm>> -> memref<520x128xf32, #tpu.memory_space<hbm>>
        tpu.enqueue_dma source(%dma_start3A_20 : memref<520x128xf32, #tpu.memory_space<hbm>>) target(%dma_start3A_17 : memref<520x128xf32, #tpu.memory_space<vmem_shared>>) target_semaphore(%run_scoped3A : memref<!tpu.dma_semaphore, #tpu.memory_space<semaphore_mem>>)
        %dma_wait3A = arith.constant 9480 : i32
        %dma_wait3A_21 = arith.constant 0 : i32
        %dma_wait3A_22 = tpu.memref_slice %arg6[%dma_wait3A, %dma_wait3A_21] : memref<10112x128xf32, #tpu.memory_space<vmem_shared>> -> memref<520x128xf32, #tpu.memory_space<vmem_shared>>
        %dma_wait3A_23 = arith.constant 9480 : i32
        %dma_wait3A_24 = arith.constant 0 : i32
        %dma_wait3A_25 = tpu.memref_slice %arg2[%dma_wait3A_23, %dma_wait3A_24] : memref<10000x128xf32, #tpu.memory_space<hbm>> -> memref<520x128xf32, #tpu.memory_space<hbm>>
        tpu.wait_dma2 semaphore(%run_scoped3A : memref<!tpu.dma_semaphore, #tpu.memory_space<semaphore_mem>>) src(%dma_wait3A_25 : memref<520x128xf32, #tpu.memory_space<hbm>>) dst(%dma_wait3A_22 : memref<520x128xf32, #tpu.memory_space<vmem_shared>>)
        tpu.yield
      }) : () -> ()
      "tpu.region"() ({
        %run_scoped3A = tpu.sem_alloc : memref<!tpu.dma_semaphore, #tpu.memory_space<semaphore_mem>>
        %dma_start3A = arith.constant 10000 : i32
        %dma_start3A_16 = arith.constant 0 : i32
        %dma_start3A_17 = tpu.memref_slice %arg6[%dma_start3A, %dma_start3A_16] : memref<10112x128xf32, #tpu.memory_space<vmem_shared>> -> memref<112x128xf32, #tpu.memory_space<vmem_shared>>
        %dma_start3A_18 = arith.constant 0 : i32
        %dma_start3A_19 = arith.constant 0 : i32
        %dma_start3A_20 = tpu.memref_slice %arg2[%dma_start3A_18, %dma_start3A_19] : memref<10000x128xf32, #tpu.memory_space<hbm>> -> memref<112x128xf32, #tpu.memory_space<hbm>>
        tpu.enqueue_dma source(%dma_start3A_20 : memref<112x128xf32, #tpu.memory_space<hbm>>) target(%dma_start3A_17 : memref<112x128xf32, #tpu.memory_space<vmem_shared>>) target_semaphore(%run_scoped3A : memref<!tpu.dma_semaphore, #tpu.memory_space<semaphore_mem>>)
        %dma_wait3A = arith.constant 10000 : i32
        %dma_wait3A_21 = arith.constant 0 : i32
        %dma_wait3A_22 = tpu.memref_slice %arg6[%dma_wait3A, %dma_wait3A_21] : memref<10112x128xf32, #tpu.memory_space<vmem_shared>> -> memref<112x128xf32, #tpu.memory_space<vmem_shared>>
        %dma_wait3A_23 = arith.constant 0 : i32
        %dma_wait3A_24 = arith.constant 0 : i32
        %dma_wait3A_25 = tpu.memref_slice %arg2[%dma_wait3A_23, %dma_wait3A_24] : memref<10000x128xf32, #tpu.memory_space<hbm>> -> memref<112x128xf32, #tpu.memory_space<hbm>>
        tpu.wait_dma2 semaphore(%run_scoped3A : memref<!tpu.dma_semaphore, #tpu.memory_space<semaphore_mem>>) src(%dma_wait3A_25 : memref<112x128xf32, #tpu.memory_space<hbm>>) dst(%dma_wait3A_22 : memref<112x128xf32, #tpu.memory_space<vmem_shared>>)
        tpu.yield
      }) : () -> ()
    } else {
    }
    %barrier3A = arith.constant 0 : index
    tpu.barrier barrier_id(%barrier3A)
    "tpu.region"() ({
      %run_scoped3A = tpu.sem_alloc : memref<!tpu.dma_semaphore, #tpu.memory_space<semaphore_mem>>
      %dma_start3A = arith.constant 0 : i32
      %dma_start3A_16 = arith.constant 0 : i32
      %dma_start3A_17 = tpu.memref_slice %arg3[%add3A, %dma_start3A, %dma_start3A_16] : memref<32x79x128xi32, #tpu.memory_space<hbm>> -> memref<1x79x128xi32, #tpu.memory_space<hbm>>
      %dma_start3A_18 = tpu.memref_squeeze %dma_start3A_17 : memref<1x79x128xi32, #tpu.memory_space<hbm>> -> memref<79x128xi32, #tpu.memory_space<hbm>>
      %dma_start3A_19 = arith.constant 0 : i32
      %dma_start3A_20 = arith.constant 0 : i32
      %dma_start3A_21 = tpu.memref_slice %arg3[%add3A, %dma_start3A_19, %dma_start3A_20] : memref<32x79x128xi32, #tpu.memory_space<hbm>> -> memref<1x79x128xi32, #tpu.memory_space<hbm>>
      %dma_start3A_22 = tpu.memref_squeeze %dma_start3A_21 : memref<1x79x128xi32, #tpu.memory_space<hbm>> -> memref<79x128xi32, #tpu.memory_space<hbm>>
      tpu.enqueue_dma source(%dma_start3A_22 : memref<79x128xi32, #tpu.memory_space<hbm>>) target(%arg7 : memref<79x128xi32, #tpu.memory_space<vmem>>) target_semaphore(%run_scoped3A : memref<!tpu.dma_semaphore, #tpu.memory_space<semaphore_mem>>)
      %dma_wait3A = arith.constant 0 : i32
      %dma_wait3A_23 = arith.constant 0 : i32
      %dma_wait3A_24 = tpu.memref_slice %arg3[%add3A, %dma_wait3A, %dma_wait3A_23] : memref<32x79x128xi32, #tpu.memory_space<hbm>> -> memref<1x79x128xi32, #tpu.memory_space<hbm>>
      %dma_wait3A_25 = tpu.memref_squeeze %dma_wait3A_24 : memref<1x79x128xi32, #tpu.memory_space<hbm>> -> memref<79x128xi32, #tpu.memory_space<hbm>>
      %dma_wait3A_26 = arith.constant 0 : i32
      %dma_wait3A_27 = arith.constant 0 : i32
      %dma_wait3A_28 = tpu.memref_slice %arg3[%add3A, %dma_wait3A_26, %dma_wait3A_27] : memref<32x79x128xi32, #tpu.memory_space<hbm>> -> memref<1x79x128xi32, #tpu.memory_space<hbm>>
      %dma_wait3A_29 = tpu.memref_squeeze %dma_wait3A_28 : memref<1x79x128xi32, #tpu.memory_space<hbm>> -> memref<79x128xi32, #tpu.memory_space<hbm>>
      tpu.wait_dma2 semaphore(%run_scoped3A : memref<!tpu.dma_semaphore, #tpu.memory_space<semaphore_mem>>) src(%dma_wait3A_29 : memref<79x128xi32, #tpu.memory_space<hbm>>) dst(%arg7 : memref<79x128xi32, #tpu.memory_space<vmem>>)
      tpu.yield
    }) : () -> ()
    "tpu.region"() ({
      %run_scoped3A = tpu.sem_alloc : memref<!tpu.dma_semaphore, #tpu.memory_space<semaphore_mem>>
      %dma_start3A = arith.constant 0 : i32
      %dma_start3A_16 = arith.constant 0 : i32
      %dma_start3A_17 = tpu.memref_slice %arg4[%add3A, %dma_start3A, %dma_start3A_16] : memref<32x79x128xi32, #tpu.memory_space<hbm>> -> memref<1x79x128xi32, #tpu.memory_space<hbm>>
      %dma_start3A_18 = tpu.memref_squeeze %dma_start3A_17 : memref<1x79x128xi32, #tpu.memory_space<hbm>> -> memref<79x128xi32, #tpu.memory_space<hbm>>
      %dma_start3A_19 = arith.constant 0 : i32
      %dma_start3A_20 = arith.constant 0 : i32
      %dma_start3A_21 = tpu.memref_slice %arg4[%add3A, %dma_start3A_19, %dma_start3A_20] : memref<32x79x128xi32, #tpu.memory_space<hbm>> -> memref<1x79x128xi32, #tpu.memory_space<hbm>>
      %dma_start3A_22 = tpu.memref_squeeze %dma_start3A_21 : memref<1x79x128xi32, #tpu.memory_space<hbm>> -> memref<79x128xi32, #tpu.memory_space<hbm>>
      tpu.enqueue_dma source(%dma_start3A_22 : memref<79x128xi32, #tpu.memory_space<hbm>>) target(%arg8 : memref<79x128xi32, #tpu.memory_space<vmem>>) target_semaphore(%run_scoped3A : memref<!tpu.dma_semaphore, #tpu.memory_space<semaphore_mem>>)
      %dma_wait3A = arith.constant 0 : i32
      %dma_wait3A_23 = arith.constant 0 : i32
      %dma_wait3A_24 = tpu.memref_slice %arg4[%add3A, %dma_wait3A, %dma_wait3A_23] : memref<32x79x128xi32, #tpu.memory_space<hbm>> -> memref<1x79x128xi32, #tpu.memory_space<hbm>>
      %dma_wait3A_25 = tpu.memref_squeeze %dma_wait3A_24 : memref<1x79x128xi32, #tpu.memory_space<hbm>> -> memref<79x128xi32, #tpu.memory_space<hbm>>
      %dma_wait3A_26 = arith.constant 0 : i32
      %dma_wait3A_27 = arith.constant 0 : i32
      %dma_wait3A_28 = tpu.memref_slice %arg4[%add3A, %dma_wait3A_26, %dma_wait3A_27] : memref<32x79x128xi32, #tpu.memory_space<hbm>> -> memref<1x79x128xi32, #tpu.memory_space<hbm>>
      %dma_wait3A_29 = tpu.memref_squeeze %dma_wait3A_28 : memref<1x79x128xi32, #tpu.memory_space<hbm>> -> memref<79x128xi32, #tpu.memory_space<hbm>>
      tpu.wait_dma2 semaphore(%run_scoped3A : memref<!tpu.dma_semaphore, #tpu.memory_space<semaphore_mem>>) src(%dma_wait3A_29 : memref<79x128xi32, #tpu.memory_space<hbm>>) dst(%arg8 : memref<79x128xi32, #tpu.memory_space<vmem>>)
      tpu.yield
    }) : () -> ()
    %scan3A = arith.constant 0 : i32
    %scan3A_7 = arith.constant 79 : i32
    %scan3A_8 = arith.addi %scan3A, %scan3A_7 : i32
    %scan3A_9 = arith.constant 1 : i32
    scf.for %scan3A_16 = %scan3A to %scan3A_8 step %scan3A_9  : i32 {
      %mul3A_17 = arith.constant 1 : i32
      %mul3A_18 = arith.muli %scan3A_16, %mul3A_17 : i32
      %add3A_19 = arith.constant 0 : i32
      %add3A_20 = arith.addi %add3A_19, %mul3A_18 : i32
      "tpu.region"() ({
        %run_scoped3A = tpu.sem_alloc : memref<!tpu.dma_semaphore, #tpu.memory_space<semaphore_mem>>
        %dma_start3A = arith.constant 0 : i32
        %dma_start3A_21 = tpu.memref_slice %arg7[%add3A_20, %dma_start3A] : memref<79x128xi32, #tpu.memory_space<vmem>> -> memref<1x128xi32, #tpu.memory_space<vmem>>
        %dma_start3A_22 = tpu.memref_squeeze %dma_start3A_21 : memref<1x128xi32, #tpu.memory_space<vmem>> -> memref<128xi32, #tpu.memory_space<vmem>>
        %dma_start3A_23 = arith.constant 0 : i32
        %dma_start3A_24 = arith.constant 0 : i32
        %dma_start3A_25 = tpu.memref_slice %arg2[%dma_start3A_23, %dma_start3A_24] : memref<10000x128xf32, #tpu.memory_space<hbm>> -> memref<10000x128xf32, #tpu.memory_space<hbm>>
        tpu.enqueue_indirect_dma source(%dma_start3A_25 : memref<10000x128xf32, #tpu.memory_space<hbm>>) target(%arg9 : memref<128x128xf32, #tpu.memory_space<vmem>>) offsets(%dma_start3A_22 : memref<128xi32, #tpu.memory_space<vmem>>) semaphore(%run_scoped3A : memref<!tpu.dma_semaphore, #tpu.memory_space<semaphore_mem>>)
        %dma_wait3A = arith.constant 0 : i32
        %dma_wait3A_26 = tpu.memref_slice %arg7[%add3A_20, %dma_wait3A] : memref<79x128xi32, #tpu.memory_space<vmem>> -> memref<1x128xi32, #tpu.memory_space<vmem>>
        %dma_wait3A_27 = tpu.memref_squeeze %dma_wait3A_26 : memref<1x128xi32, #tpu.memory_space<vmem>> -> memref<128xi32, #tpu.memory_space<vmem>>
        %dma_wait3A_28 = arith.constant 0 : i32
        %dma_wait3A_29 = arith.constant 0 : i32
        %dma_wait3A_30 = tpu.memref_slice %arg2[%dma_wait3A_28, %dma_wait3A_29] : memref<10000x128xf32, #tpu.memory_space<hbm>> -> memref<10000x128xf32, #tpu.memory_space<hbm>>
        tpu.wait_indirect_dma semaphore(%run_scoped3A : memref<!tpu.dma_semaphore, #tpu.memory_space<semaphore_mem>>) src(%dma_wait3A_30 : memref<10000x128xf32, #tpu.memory_space<hbm>>) dst(%arg9 : memref<128x128xf32, #tpu.memory_space<vmem>>)
        tpu.yield
      }) : () -> ()
      "tpu.region"() ({
        %run_scoped3A = tpu.sem_alloc : memref<!tpu.dma_semaphore, #tpu.memory_space<semaphore_mem>>
        %dma_start3A = arith.constant 0 : i32
        %dma_start3A_21 = tpu.memref_slice %arg8[%add3A_20, %dma_start3A] : memref<79x128xi32, #tpu.memory_space<vmem>> -> memref<1x128xi32, #tpu.memory_space<vmem>>
        %dma_start3A_22 = tpu.memref_squeeze %dma_start3A_21 : memref<1x128xi32, #tpu.memory_space<vmem>> -> memref<128xi32, #tpu.memory_space<vmem>>
        %dma_start3A_23 = arith.constant 0 : i32
        %dma_start3A_24 = arith.constant 0 : i32
        %dma_start3A_25 = tpu.memref_slice %arg6[%dma_start3A_23, %dma_start3A_24] : memref<10112x128xf32, #tpu.memory_space<vmem_shared>> -> memref<10112x128xf32, #tpu.memory_space<vmem_shared>>
        tpu.enqueue_indirect_dma source(%arg9 : memref<128x128xf32, #tpu.memory_space<vmem>>) target(%dma_start3A_25 : memref<10112x128xf32, #tpu.memory_space<vmem_shared>>) offsets(%dma_start3A_22 : memref<128xi32, #tpu.memory_space<vmem>>) semaphore(%run_scoped3A : memref<!tpu.dma_semaphore, #tpu.memory_space<semaphore_mem>>) {add = true}
        %dma_wait3A = arith.constant 0 : i32
        %dma_wait3A_26 = tpu.memref_slice %arg8[%add3A_20, %dma_wait3A] : memref<79x128xi32, #tpu.memory_space<vmem>> -> memref<1x128xi32, #tpu.memory_space<vmem>>
        %dma_wait3A_27 = tpu.memref_squeeze %dma_wait3A_26 : memref<1x128xi32, #tpu.memory_space<vmem>> -> memref<128xi32, #tpu.memory_space<vmem>>
        %dma_wait3A_28 = arith.constant 0 : i32
        %dma_wait3A_29 = arith.constant 0 : i32
        %dma_wait3A_30 = tpu.memref_slice %arg6[%dma_wait3A_28, %dma_wait3A_29] : memref<10112x128xf32, #tpu.memory_space<vmem_shared>> -> memref<10112x128xf32, #tpu.memory_space<vmem_shared>>
        tpu.wait_indirect_dma semaphore(%run_scoped3A : memref<!tpu.dma_semaphore, #tpu.memory_space<semaphore_mem>>) src(%arg9 : memref<128x128xf32, #tpu.memory_space<vmem>>) dst(%dma_wait3A_30 : memref<10112x128xf32, #tpu.memory_space<vmem_shared>>)
        tpu.yield
      }) : () -> ()
    }
    %scan3A_10 = arith.constant 79 : i32
    %barrier3A_11 = arith.constant 0 : index
    tpu.barrier barrier_id(%barrier3A_11)
    %mul3A_12 = arith.constant 632 : i32
    %mul3A_13 = arith.muli %arg1, %mul3A_12 : i32
    %mul3A_14 = arith.constant 632 : i32
    %mul3A_15 = arith.muli %arg1, %mul3A_14 : i32
    "tpu.region"() ({
      %run_scoped3A = tpu.sem_alloc : memref<!tpu.dma_semaphore, #tpu.memory_space<semaphore_mem>>
      %dma_start3A = arith.constant 0 : i32
      %dma_start3A_16 = tpu.memref_slice %arg5[%arg0, %mul3A_15, %dma_start3A] : memref<2x10112x128xf32, #tpu.memory_space<hbm>> -> memref<1x632x128xf32, #tpu.memory_space<hbm>>
      %dma_start3A_17 = tpu.memref_squeeze %dma_start3A_16 : memref<1x632x128xf32, #tpu.memory_space<hbm>> -> memref<632x128xf32, #tpu.memory_space<hbm>>
      %dma_start3A_18 = arith.constant 0 : i32
      %dma_start3A_19 = tpu.memref_slice %arg6[%mul3A_13, %dma_start3A_18] : memref<10112x128xf32, #tpu.memory_space<vmem_shared>> -> memref<632x128xf32, #tpu.memory_space<vmem_shared>>
      tpu.enqueue_dma source(%dma_start3A_19 : memref<632x128xf32, #tpu.memory_space<vmem_shared>>) target(%dma_start3A_17 : memref<632x128xf32, #tpu.memory_space<hbm>>) target_semaphore(%run_scoped3A : memref<!tpu.dma_semaphore, #tpu.memory_space<semaphore_mem>>)
      %dma_wait3A = arith.constant 0 : i32
      %dma_wait3A_20 = tpu.memref_slice %arg5[%arg0, %mul3A_15, %dma_wait3A] : memref<2x10112x128xf32, #tpu.memory_space<hbm>> -> memref<1x632x128xf32, #tpu.memory_space<hbm>>
      %dma_wait3A_21 = tpu.memref_squeeze %dma_wait3A_20 : memref<1x632x128xf32, #tpu.memory_space<hbm>> -> memref<632x128xf32, #tpu.memory_space<hbm>>
      %dma_wait3A_22 = arith.constant 0 : i32
      %dma_wait3A_23 = tpu.memref_slice %arg6[%mul3A_13, %dma_wait3A_22] : memref<10112x128xf32, #tpu.memory_space<vmem_shared>> -> memref<632x128xf32, #tpu.memory_space<vmem_shared>>
      tpu.wait_dma2 semaphore(%run_scoped3A : memref<!tpu.dma_semaphore, #tpu.memory_space<semaphore_mem>>) src(%dma_wait3A_23 : memref<632x128xf32, #tpu.memory_space<vmem_shared>>) dst(%dma_wait3A_21 : memref<632x128xf32, #tpu.memory_space<hbm>>)
      tpu.yield
    }) : () -> ()
    return
  }
}

#map = affine_map<(d0, d1) -> (0, 0)>
#map1 = affine_map<(d0, d1) -> (0, 0, 0)>
module attributes {stable_mosaic.version = 14 : i64} {
  func.func @_agg_body(%arg0: i32, %arg1: i32, %arg2: memref<10000x128xf32, #tpu.memory_space<hbm>>, %arg3: memref<32x79x128xi32, #tpu.memory_space<hbm>>, %arg4: memref<32x79x128xi32, #tpu.memory_space<hbm>>, %arg5: memref<2x10112x128xf32, #tpu.memory_space<hbm>>, %arg6: memref<10112x128xf32, #tpu.memory_space<vmem_shared>>, %arg7: memref<79x128xi32, #tpu.memory_space<vmem>>, %arg8: memref<79x128xi32, #tpu.memory_space<vmem>>, %arg9: memref<128x128xf32, #tpu.memory_space<vmem>>) attributes {dimension_semantics = [#tpu.dimension_semantics<core_parallel>, #tpu.dimension_semantics<subcore_parallel>], iteration_bounds = array<i64: 2, 16>, scalar_prefetch = 0 : i64, scratch_operands = 4 : i64, tpu.core_type = #tpu.core_type<sc_vector_subcore>, window_params = [{transform_indices = #map}, {transform_indices = #map1}, {transform_indices = #map1}, {transform_indices = #map1}]} {
    %mul3A = arith.constant 16 : i32
    %mul3A_0 = arith.muli %arg0, %mul3A : i32
    %add3A = arith.addi %mul3A_0, %arg1 : i32
    %lt3A = arith.constant 15 : i32
    %lt3A_1 = arith.cmpi slt, %arg1, %lt3A : i32
    %convert_element_type3A = arith.extui %lt3A_1 : i1 to i32
    %cond3A = arith.constant 0 : i32
    %cond3A_2 = arith.cmpi ne, %convert_element_type3A, %cond3A : i32
    scf.if %cond3A_2 {
      %mul3A_16 = arith.constant 632 : i32
      %mul3A_17 = arith.muli %arg1, %mul3A_16 : i32
      %mul3A_18 = arith.constant 632 : i32
      %mul3A_19 = arith.muli %arg1, %mul3A_18 : i32
      "tpu.region"() ({
        %run_scoped3A = tpu.sem_alloc : memref<!tpu.dma_semaphore, #tpu.memory_space<semaphore_mem>>
        %dma_start3A = arith.constant 0 : i32
        %dma_start3A_20 = tpu.memref_slice %arg6[%mul3A_19, %dma_start3A] : memref<10112x128xf32, #tpu.memory_space<vmem_shared>> -> memref<632x128xf32, #tpu.memory_space<vmem_shared>>
        %dma_start3A_21 = arith.constant 0 : i32
        %dma_start3A_22 = tpu.memref_slice %arg2[%mul3A_17, %dma_start3A_21] : memref<10000x128xf32, #tpu.memory_space<hbm>> -> memref<632x128xf32, #tpu.memory_space<hbm>>
        tpu.enqueue_dma source(%dma_start3A_22 : memref<632x128xf32, #tpu.memory_space<hbm>>) target(%dma_start3A_20 : memref<632x128xf32, #tpu.memory_space<vmem_shared>>) target_semaphore(%run_scoped3A : memref<!tpu.dma_semaphore, #tpu.memory_space<semaphore_mem>>)
        %dma_wait3A = arith.constant 0 : i32
        %dma_wait3A_23 = tpu.memref_slice %arg6[%mul3A_19, %dma_wait3A] : memref<10112x128xf32, #tpu.memory_space<vmem_shared>> -> memref<632x128xf32, #tpu.memory_space<vmem_shared>>
        %dma_wait3A_24 = arith.constant 0 : i32
        %dma_wait3A_25 = tpu.memref_slice %arg2[%mul3A_17, %dma_wait3A_24] : memref<10000x128xf32, #tpu.memory_space<hbm>> -> memref<632x128xf32, #tpu.memory_space<hbm>>
        tpu.wait_dma2 semaphore(%run_scoped3A : memref<!tpu.dma_semaphore, #tpu.memory_space<semaphore_mem>>) src(%dma_wait3A_25 : memref<632x128xf32, #tpu.memory_space<hbm>>) dst(%dma_wait3A_23 : memref<632x128xf32, #tpu.memory_space<vmem_shared>>)
        tpu.yield
      }) : () -> ()
    } else {
    }
    %eq3A = arith.constant 15 : i32
    %eq3A_3 = arith.cmpi eq, %arg1, %eq3A : i32
    %convert_element_type3A_4 = arith.extui %eq3A_3 : i1 to i32
    %cond3A_5 = arith.constant 0 : i32
    %cond3A_6 = arith.cmpi ne, %convert_element_type3A_4, %cond3A_5 : i32
    scf.if %cond3A_6 {
      "tpu.region"() ({
        %run_scoped3A = tpu.sem_alloc : memref<!tpu.dma_semaphore, #tpu.memory_space<semaphore_mem>>
        %dma_start3A = arith.constant 9480 : i32
        %dma_start3A_16 = arith.constant 0 : i32
        %dma_start3A_17 = tpu.memref_slice %arg6[%dma_start3A, %dma_start3A_16] : memref<10112x128xf32, #tpu.memory_space<vmem_shared>> -> memref<520x128xf32, #tpu.memory_space<vmem_shared>>
        %dma_start3A_18 = arith.constant 9480 : i32
        %dma_start3A_19 = arith.constant 0 : i32
        %dma_start3A_20 = tpu.memref_slice %arg2[%dma_start3A_18, %dma_start3A_19] : memref<10000x128xf32, #tpu.memory_space<hbm>> -> memref<520x128xf32, #tpu.memory_space<hbm>>
        tpu.enqueue_dma source(%dma_start3A_20 : memref<520x128xf32, #tpu.memory_space<hbm>>) target(%dma_start3A_17 : memref<520x128xf32, #tpu.memory_space<vmem_shared>>) target_semaphore(%run_scoped3A : memref<!tpu.dma_semaphore, #tpu.memory_space<semaphore_mem>>)
        %dma_wait3A = arith.constant 9480 : i32
        %dma_wait3A_21 = arith.constant 0 : i32
        %dma_wait3A_22 = tpu.memref_slice %arg6[%dma_wait3A, %dma_wait3A_21] : memref<10112x128xf32, #tpu.memory_space<vmem_shared>> -> memref<520x128xf32, #tpu.memory_space<vmem_shared>>
        %dma_wait3A_23 = arith.constant 9480 : i32
        %dma_wait3A_24 = arith.constant 0 : i32
        %dma_wait3A_25 = tpu.memref_slice %arg2[%dma_wait3A_23, %dma_wait3A_24] : memref<10000x128xf32, #tpu.memory_space<hbm>> -> memref<520x128xf32, #tpu.memory_space<hbm>>
        tpu.wait_dma2 semaphore(%run_scoped3A : memref<!tpu.dma_semaphore, #tpu.memory_space<semaphore_mem>>) src(%dma_wait3A_25 : memref<520x128xf32, #tpu.memory_space<hbm>>) dst(%dma_wait3A_22 : memref<520x128xf32, #tpu.memory_space<vmem_shared>>)
        tpu.yield
      }) : () -> ()
      "tpu.region"() ({
        %run_scoped3A = tpu.sem_alloc : memref<!tpu.dma_semaphore, #tpu.memory_space<semaphore_mem>>
        %dma_start3A = arith.constant 10000 : i32
        %dma_start3A_16 = arith.constant 0 : i32
        %dma_start3A_17 = tpu.memref_slice %arg6[%dma_start3A, %dma_start3A_16] : memref<10112x128xf32, #tpu.memory_space<vmem_shared>> -> memref<112x128xf32, #tpu.memory_space<vmem_shared>>
        %dma_start3A_18 = arith.constant 0 : i32
        %dma_start3A_19 = arith.constant 0 : i32
        %dma_start3A_20 = tpu.memref_slice %arg2[%dma_start3A_18, %dma_start3A_19] : memref<10000x128xf32, #tpu.memory_space<hbm>> -> memref<112x128xf32, #tpu.memory_space<hbm>>
        tpu.enqueue_dma source(%dma_start3A_20 : memref<112x128xf32, #tpu.memory_space<hbm>>) target(%dma_start3A_17 : memref<112x128xf32, #tpu.memory_space<vmem_shared>>) target_semaphore(%run_scoped3A : memref<!tpu.dma_semaphore, #tpu.memory_space<semaphore_mem>>)
        %dma_wait3A = arith.constant 10000 : i32
        %dma_wait3A_21 = arith.constant 0 : i32
        %dma_wait3A_22 = tpu.memref_slice %arg6[%dma_wait3A, %dma_wait3A_21] : memref<10112x128xf32, #tpu.memory_space<vmem_shared>> -> memref<112x128xf32, #tpu.memory_space<vmem_shared>>
        %dma_wait3A_23 = arith.constant 0 : i32
        %dma_wait3A_24 = arith.constant 0 : i32
        %dma_wait3A_25 = tpu.memref_slice %arg2[%dma_wait3A_23, %dma_wait3A_24] : memref<10000x128xf32, #tpu.memory_space<hbm>> -> memref<112x128xf32, #tpu.memory_space<hbm>>
        tpu.wait_dma2 semaphore(%run_scoped3A : memref<!tpu.dma_semaphore, #tpu.memory_space<semaphore_mem>>) src(%dma_wait3A_25 : memref<112x128xf32, #tpu.memory_space<hbm>>) dst(%dma_wait3A_22 : memref<112x128xf32, #tpu.memory_space<vmem_shared>>)
        tpu.yield
      }) : () -> ()
    } else {
    }
    %barrier3A = arith.constant 0 : index
    tpu.barrier barrier_id(%barrier3A)
    "tpu.region"() ({
      %run_scoped3A = tpu.sem_alloc : memref<!tpu.dma_semaphore, #tpu.memory_space<semaphore_mem>>
      %dma_start3A = arith.constant 0 : i32
      %dma_start3A_16 = arith.constant 0 : i32
      %dma_start3A_17 = tpu.memref_slice %arg3[%add3A, %dma_start3A, %dma_start3A_16] : memref<32x79x128xi32, #tpu.memory_space<hbm>> -> memref<1x79x128xi32, #tpu.memory_space<hbm>>
      %dma_start3A_18 = tpu.memref_squeeze %dma_start3A_17 : memref<1x79x128xi32, #tpu.memory_space<hbm>> -> memref<79x128xi32, #tpu.memory_space<hbm>>
      %dma_start3A_19 = arith.constant 0 : i32
      %dma_start3A_20 = arith.constant 0 : i32
      %dma_start3A_21 = tpu.memref_slice %arg3[%add3A, %dma_start3A_19, %dma_start3A_20] : memref<32x79x128xi32, #tpu.memory_space<hbm>> -> memref<1x79x128xi32, #tpu.memory_space<hbm>>
      %dma_start3A_22 = tpu.memref_squeeze %dma_start3A_21 : memref<1x79x128xi32, #tpu.memory_space<hbm>> -> memref<79x128xi32, #tpu.memory_space<hbm>>
      tpu.enqueue_dma source(%dma_start3A_22 : memref<79x128xi32, #tpu.memory_space<hbm>>) target(%arg7 : memref<79x128xi32, #tpu.memory_space<vmem>>) target_semaphore(%run_scoped3A : memref<!tpu.dma_semaphore, #tpu.memory_space<semaphore_mem>>)
      %dma_wait3A = arith.constant 0 : i32
      %dma_wait3A_23 = arith.constant 0 : i32
      %dma_wait3A_24 = tpu.memref_slice %arg3[%add3A, %dma_wait3A, %dma_wait3A_23] : memref<32x79x128xi32, #tpu.memory_space<hbm>> -> memref<1x79x128xi32, #tpu.memory_space<hbm>>
      %dma_wait3A_25 = tpu.memref_squeeze %dma_wait3A_24 : memref<1x79x128xi32, #tpu.memory_space<hbm>> -> memref<79x128xi32, #tpu.memory_space<hbm>>
      %dma_wait3A_26 = arith.constant 0 : i32
      %dma_wait3A_27 = arith.constant 0 : i32
      %dma_wait3A_28 = tpu.memref_slice %arg3[%add3A, %dma_wait3A_26, %dma_wait3A_27] : memref<32x79x128xi32, #tpu.memory_space<hbm>> -> memref<1x79x128xi32, #tpu.memory_space<hbm>>
      %dma_wait3A_29 = tpu.memref_squeeze %dma_wait3A_28 : memref<1x79x128xi32, #tpu.memory_space<hbm>> -> memref<79x128xi32, #tpu.memory_space<hbm>>
      tpu.wait_dma2 semaphore(%run_scoped3A : memref<!tpu.dma_semaphore, #tpu.memory_space<semaphore_mem>>) src(%dma_wait3A_29 : memref<79x128xi32, #tpu.memory_space<hbm>>) dst(%arg7 : memref<79x128xi32, #tpu.memory_space<vmem>>)
      tpu.yield
    }) : () -> ()
    "tpu.region"() ({
      %run_scoped3A = tpu.sem_alloc : memref<!tpu.dma_semaphore, #tpu.memory_space<semaphore_mem>>
      %dma_start3A = arith.constant 0 : i32
      %dma_start3A_16 = arith.constant 0 : i32
      %dma_start3A_17 = tpu.memref_slice %arg4[%add3A, %dma_start3A, %dma_start3A_16] : memref<32x79x128xi32, #tpu.memory_space<hbm>> -> memref<1x79x128xi32, #tpu.memory_space<hbm>>
      %dma_start3A_18 = tpu.memref_squeeze %dma_start3A_17 : memref<1x79x128xi32, #tpu.memory_space<hbm>> -> memref<79x128xi32, #tpu.memory_space<hbm>>
      %dma_start3A_19 = arith.constant 0 : i32
      %dma_start3A_20 = arith.constant 0 : i32
      %dma_start3A_21 = tpu.memref_slice %arg4[%add3A, %dma_start3A_19, %dma_start3A_20] : memref<32x79x128xi32, #tpu.memory_space<hbm>> -> memref<1x79x128xi32, #tpu.memory_space<hbm>>
      %dma_start3A_22 = tpu.memref_squeeze %dma_start3A_21 : memref<1x79x128xi32, #tpu.memory_space<hbm>> -> memref<79x128xi32, #tpu.memory_space<hbm>>
      tpu.enqueue_dma source(%dma_start3A_22 : memref<79x128xi32, #tpu.memory_space<hbm>>) target(%arg8 : memref<79x128xi32, #tpu.memory_space<vmem>>) target_semaphore(%run_scoped3A : memref<!tpu.dma_semaphore, #tpu.memory_space<semaphore_mem>>)
      %dma_wait3A = arith.constant 0 : i32
      %dma_wait3A_23 = arith.constant 0 : i32
      %dma_wait3A_24 = tpu.memref_slice %arg4[%add3A, %dma_wait3A, %dma_wait3A_23] : memref<32x79x128xi32, #tpu.memory_space<hbm>> -> memref<1x79x128xi32, #tpu.memory_space<hbm>>
      %dma_wait3A_25 = tpu.memref_squeeze %dma_wait3A_24 : memref<1x79x128xi32, #tpu.memory_space<hbm>> -> memref<79x128xi32, #tpu.memory_space<hbm>>
      %dma_wait3A_26 = arith.constant 0 : i32
      %dma_wait3A_27 = arith.constant 0 : i32
      %dma_wait3A_28 = tpu.memref_slice %arg4[%add3A, %dma_wait3A_26, %dma_wait3A_27] : memref<32x79x128xi32, #tpu.memory_space<hbm>> -> memref<1x79x128xi32, #tpu.memory_space<hbm>>
      %dma_wait3A_29 = tpu.memref_squeeze %dma_wait3A_28 : memref<1x79x128xi32, #tpu.memory_space<hbm>> -> memref<79x128xi32, #tpu.memory_space<hbm>>
      tpu.wait_dma2 semaphore(%run_scoped3A : memref<!tpu.dma_semaphore, #tpu.memory_space<semaphore_mem>>) src(%dma_wait3A_29 : memref<79x128xi32, #tpu.memory_space<hbm>>) dst(%arg8 : memref<79x128xi32, #tpu.memory_space<vmem>>)
      tpu.yield
    }) : () -> ()
    %scan3A = arith.constant 0 : i32
    %scan3A_7 = arith.constant 79 : i32
    %scan3A_8 = arith.addi %scan3A, %scan3A_7 : i32
    %scan3A_9 = arith.constant 1 : i32
    scf.for %scan3A_16 = %scan3A to %scan3A_8 step %scan3A_9  : i32 {
      %mul3A_17 = arith.constant 1 : i32
      %mul3A_18 = arith.muli %scan3A_16, %mul3A_17 : i32
      %add3A_19 = arith.constant 0 : i32
      %add3A_20 = arith.addi %add3A_19, %mul3A_18 : i32
      "tpu.region"() ({
        %run_scoped3A = tpu.sem_alloc : memref<!tpu.dma_semaphore, #tpu.memory_space<semaphore_mem>>
        %dma_start3A = arith.constant 0 : i32
        %dma_start3A_21 = tpu.memref_slice %arg7[%add3A_20, %dma_start3A] : memref<79x128xi32, #tpu.memory_space<vmem>> -> memref<1x128xi32, #tpu.memory_space<vmem>>
        %dma_start3A_22 = tpu.memref_squeeze %dma_start3A_21 : memref<1x128xi32, #tpu.memory_space<vmem>> -> memref<128xi32, #tpu.memory_space<vmem>>
        %dma_start3A_23 = arith.constant 0 : i32
        %dma_start3A_24 = arith.constant 0 : i32
        %dma_start3A_25 = tpu.memref_slice %arg2[%dma_start3A_23, %dma_start3A_24] : memref<10000x128xf32, #tpu.memory_space<hbm>> -> memref<10000x128xf32, #tpu.memory_space<hbm>>
        tpu.enqueue_indirect_dma source(%dma_start3A_25 : memref<10000x128xf32, #tpu.memory_space<hbm>>) target(%arg9 : memref<128x128xf32, #tpu.memory_space<vmem>>) offsets(%dma_start3A_22 : memref<128xi32, #tpu.memory_space<vmem>>) semaphore(%run_scoped3A : memref<!tpu.dma_semaphore, #tpu.memory_space<semaphore_mem>>)
        %dma_wait3A = arith.constant 0 : i32
        %dma_wait3A_26 = tpu.memref_slice %arg7[%add3A_20, %dma_wait3A] : memref<79x128xi32, #tpu.memory_space<vmem>> -> memref<1x128xi32, #tpu.memory_space<vmem>>
        %dma_wait3A_27 = tpu.memref_squeeze %dma_wait3A_26 : memref<1x128xi32, #tpu.memory_space<vmem>> -> memref<128xi32, #tpu.memory_space<vmem>>
        %dma_wait3A_28 = arith.constant 0 : i32
        %dma_wait3A_29 = arith.constant 0 : i32
        %dma_wait3A_30 = tpu.memref_slice %arg2[%dma_wait3A_28, %dma_wait3A_29] : memref<10000x128xf32, #tpu.memory_space<hbm>> -> memref<10000x128xf32, #tpu.memory_space<hbm>>
        tpu.wait_indirect_dma semaphore(%run_scoped3A : memref<!tpu.dma_semaphore, #tpu.memory_space<semaphore_mem>>) src(%dma_wait3A_30 : memref<10000x128xf32, #tpu.memory_space<hbm>>) dst(%arg9 : memref<128x128xf32, #tpu.memory_space<vmem>>)
        tpu.yield
      }) : () -> ()
      "tpu.region"() ({
        %run_scoped3A = tpu.sem_alloc : memref<!tpu.dma_semaphore, #tpu.memory_space<semaphore_mem>>
        %dma_start3A = arith.constant 0 : i32
        %dma_start3A_21 = tpu.memref_slice %arg8[%add3A_20, %dma_start3A] : memref<79x128xi32, #tpu.memory_space<vmem>> -> memref<1x128xi32, #tpu.memory_space<vmem>>
        %dma_start3A_22 = tpu.memref_squeeze %dma_start3A_21 : memref<1x128xi32, #tpu.memory_space<vmem>> -> memref<128xi32, #tpu.memory_space<vmem>>
        %dma_start3A_23 = arith.constant 0 : i32
        %dma_start3A_24 = arith.constant 0 : i32
        %dma_start3A_25 = tpu.memref_slice %arg6[%dma_start3A_23, %dma_start3A_24] : memref<10112x128xf32, #tpu.memory_space<vmem_shared>> -> memref<10112x128xf32, #tpu.memory_space<vmem_shared>>
        tpu.enqueue_indirect_dma source(%arg9 : memref<128x128xf32, #tpu.memory_space<vmem>>) target(%dma_start3A_25 : memref<10112x128xf32, #tpu.memory_space<vmem_shared>>) offsets(%dma_start3A_22 : memref<128xi32, #tpu.memory_space<vmem>>) semaphore(%run_scoped3A : memref<!tpu.dma_semaphore, #tpu.memory_space<semaphore_mem>>) {add = true}
        %dma_wait3A = arith.constant 0 : i32
        %dma_wait3A_26 = tpu.memref_slice %arg8[%add3A_20, %dma_wait3A] : memref<79x128xi32, #tpu.memory_space<vmem>> -> memref<1x128xi32, #tpu.memory_space<vmem>>
        %dma_wait3A_27 = tpu.memref_squeeze %dma_wait3A_26 : memref<1x128xi32, #tpu.memory_space<vmem>> -> memref<128xi32, #tpu.memory_space<vmem>>
        %dma_wait3A_28 = arith.constant 0 : i32
        %dma_wait3A_29 = arith.constant 0 : i32
        %dma_wait3A_30 = tpu.memref_slice %arg6[%dma_wait3A_28, %dma_wait3A_29] : memref<10112x128xf32, #tpu.memory_space<vmem_shared>> -> memref<10112x128xf32, #tpu.memory_space<vmem_shared>>
        tpu.wait_indirect_dma semaphore(%run_scoped3A : memref<!tpu.dma_semaphore, #tpu.memory_space<semaphore_mem>>) src(%arg9 : memref<128x128xf32, #tpu.memory_space<vmem>>) dst(%dma_wait3A_30 : memref<10112x128xf32, #tpu.memory_space<vmem_shared>>)
        tpu.yield
      }) : () -> ()
    }
    %scan3A_10 = arith.constant 79 : i32
    %barrier3A_11 = arith.constant 0 : index
    tpu.barrier barrier_id(%barrier3A_11)
    %mul3A_12 = arith.constant 632 : i32
    %mul3A_13 = arith.muli %arg1, %mul3A_12 : i32
    %mul3A_14 = arith.constant 632 : i32
    %mul3A_15 = arith.muli %arg1, %mul3A_14 : i32
    "tpu.region"() ({
      %run_scoped3A = tpu.sem_alloc : memref<!tpu.dma_semaphore, #tpu.memory_space<semaphore_mem>>
      %dma_start3A = arith.constant 0 : i32
      %dma_start3A_16 = tpu.memref_slice %arg5[%arg0, %mul3A_15, %dma_start3A] : memref<2x10112x128xf32, #tpu.memory_space<hbm>> -> memref<1x632x128xf32, #tpu.memory_space<hbm>>
      %dma_start3A_17 = tpu.memref_squeeze %dma_start3A_16 : memref<1x632x128xf32, #tpu.memory_space<hbm>> -> memref<632x128xf32, #tpu.memory_space<hbm>>
      %dma_start3A_18 = arith.constant 0 : i32
      %dma_start3A_19 = tpu.memref_slice %arg6[%mul3A_13, %dma_start3A_18] : memref<10112x128xf32, #tpu.memory_space<vmem_shared>> -> memref<632x128xf32, #tpu.memory_space<vmem_shared>>
      tpu.enqueue_dma source(%dma_start3A_19 : memref<632x128xf32, #tpu.memory_space<vmem_shared>>) target(%dma_start3A_17 : memref<632x128xf32, #tpu.memory_space<hbm>>) target_semaphore(%run_scoped3A : memref<!tpu.dma_semaphore, #tpu.memory_space<semaphore_mem>>)
      %dma_wait3A = arith.constant 0 : i32
      %dma_wait3A_20 = tpu.memref_slice %arg5[%arg0, %mul3A_15, %dma_wait3A] : memref<2x10112x128xf32, #tpu.memory_space<hbm>> -> memref<1x632x128xf32, #tpu.memory_space<hbm>>
      %dma_wait3A_21 = tpu.memref_squeeze %dma_wait3A_20 : memref<1x632x128xf32, #tpu.memory_space<hbm>> -> memref<632x128xf32, #tpu.memory_space<hbm>>
      %dma_wait3A_22 = arith.constant 0 : i32
      %dma_wait3A_23 = tpu.memref_slice %arg6[%mul3A_13, %dma_wait3A_22] : memref<10112x128xf32, #tpu.memory_space<vmem_shared>> -> memref<632x128xf32, #tpu.memory_space<vmem_shared>>
      tpu.wait_dma2 semaphore(%run_scoped3A : memref<!tpu.dma_semaphore, #tpu.memory_space<semaphore_mem>>) src(%dma_wait3A_23 : memref<632x128xf32, #tpu.memory_space<vmem_shared>>) dst(%dma_wait3A_21 : memref<632x128xf32, #tpu.memory_space<hbm>>)
      tpu.yield
    }) : () -> ()
    return
  }
}

module attributes {stable_mosaic.version = 14 : i64} {
  func.func @_prescale_body(%arg0: memref<10000x128xf32, #tpu.memory_space<vmem>>, %arg1: memref<128x128xf32, #tpu.memory_space<vmem>>, %arg2: memref<2x10112x16xf32, #tpu.memory_space<vmem>>, %arg3: memref<10000x128xf32, #tpu.memory_space<vmem>>) attributes {dimension_semantics = [], scalar_prefetch = 0 : i64, scratch_operands = 0 : i64, tpu.core_type = #tpu.core_type<tc>} {
    %get3A = arith.constant 0 : index
    %get3A_0 = arith.constant 0 : index
    %get3A_1 = vector.load %arg0[%get3A, %get3A_0] : memref<10000x128xf32, #tpu.memory_space<vmem>>, vector<10000x128xf32>
    %get3A_2 = arith.constant 0 : index
    %get3A_3 = arith.constant 0 : index
    %get3A_4 = vector.load %arg1[%get3A_2, %get3A_3] : memref<128x128xf32, #tpu.memory_space<vmem>>, vector<128x128xf32>
    %dot_general3A = arith.constant dense<0.000000e+00> : vector<10000x128xf32>
    %dot_general3A_5 = tpu.matmul %get3A_1, %get3A_4, %dot_general3A {dimension_numbers = #tpu.dot_dimension_numbers<[1], [0], [0], [1], [0, 0, 1, 1], [], []>, transpose_lhs_hint = false} : vector<10000x128xf32>, vector<128x128xf32>, vector<10000x128xf32> -> vector<10000x128xf32>
    %get3A_6 = arith.constant 0 : index
    %get3A_7 = arith.constant 0 : index
    %get3A_8 = arith.constant 0 : index
    %get3A_9 = vector.load %arg2[%get3A_6, %get3A_7, %get3A_8] : memref<2x10112x16xf32, #tpu.memory_space<vmem>>, vector<1x10000x1xf32>
    %get3A_10 = vector.shape_cast %get3A_9 : vector<1x10000x1xf32> to vector<10000x1xf32>
    %get3A_11 = arith.constant 1 : index
    %get3A_12 = arith.constant 0 : index
    %get3A_13 = arith.constant 0 : index
    %get3A_14 = vector.load %arg2[%get3A_11, %get3A_12, %get3A_13] : memref<2x10112x16xf32, #tpu.memory_space<vmem>>, vector<1x10000x1xf32>
    %get3A_15 = vector.shape_cast %get3A_14 : vector<1x10000x1xf32> to vector<10000x1xf32>
    %add3A = arith.addf %get3A_10, %get3A_15 : vector<10000x1xf32>
    %add3A_16 = arith.constant 1.000000e+00 : f32
    %add3A_17 = vector.broadcast %add3A_16 : f32 to vector<10000x1xf32>
    %add3A_18 = arith.addf %add3A, %add3A_17 : vector<10000x1xf32>
    %sqrt3A = math.sqrt %add3A_18 : vector<10000x1xf32>
    %div3A = arith.constant 1.000000e+00 : f32
    %div3A_19 = vector.broadcast %div3A : f32 to vector<10000x1xf32>
    %div3A_20 = arith.divf %div3A_19, %sqrt3A : vector<10000x1xf32>
    %mul3A = vector.broadcast %div3A_20 : vector<10000x1xf32> to vector<10000x128xf32>
    %mul3A_21 = arith.mulf %dot_general3A_5, %mul3A : vector<10000x128xf32>
    %swap3A = arith.constant 0 : index
    %swap3A_22 = arith.constant 0 : index
    %swap3A_23 = vector.load %arg3[%swap3A, %swap3A_22] : memref<10000x128xf32, #tpu.memory_space<vmem>>, vector<10000x128xf32>
    tpu.vector_store %arg3[%swap3A, %swap3A_22], %mul3A_21 {strides = array<i32>} : memref<10000x128xf32, #tpu.memory_space<vmem>>, vector<10000x128xf32>,
    return
  }
}

module attributes {stable_mosaic.version = 14 : i64} {
  func.func @_mid_body(%arg0: memref<2x10112x128xf32, #tpu.memory_space<vmem>>, %arg1: memref<10000x128xf32, #tpu.memory_space<vmem>>, %arg2: memref<2x10112x16xf32, #tpu.memory_space<vmem>>, %arg3: memref<1x128xf32, #tpu.memory_space<vmem>>, %arg4: memref<128x128xf32, #tpu.memory_space<vmem>>, %arg5: memref<10000x128xf32, #tpu.memory_space<vmem>>) attributes {dimension_semantics = [], scalar_prefetch = 0 : i64, scratch_operands = 0 : i64, tpu.core_type = #tpu.core_type<tc>} {
    %get3A = arith.constant 0 : index
    %get3A_0 = arith.constant 0 : index
    %get3A_1 = arith.constant 0 : index
    %get3A_2 = vector.load %arg2[%get3A, %get3A_0, %get3A_1] : memref<2x10112x16xf32, #tpu.memory_space<vmem>>, vector<1x10000x1xf32>
    %get3A_3 = vector.shape_cast %get3A_2 : vector<1x10000x1xf32> to vector<10000x1xf32>
    %get3A_4 = arith.constant 1 : index
    %get3A_5 = arith.constant 0 : index
    %get3A_6 = arith.constant 0 : index
    %get3A_7 = vector.load %arg2[%get3A_4, %get3A_5, %get3A_6] : memref<2x10112x16xf32, #tpu.memory_space<vmem>>, vector<1x10000x1xf32>
    %get3A_8 = vector.shape_cast %get3A_7 : vector<1x10000x1xf32> to vector<10000x1xf32>
    %add3A = arith.addf %get3A_3, %get3A_8 : vector<10000x1xf32>
    %add3A_9 = arith.constant 1.000000e+00 : f32
    %add3A_10 = vector.broadcast %add3A_9 : f32 to vector<10000x1xf32>
    %add3A_11 = arith.addf %add3A, %add3A_10 : vector<10000x1xf32>
    %sqrt3A = math.sqrt %add3A_11 : vector<10000x1xf32>
    %div3A = arith.constant 1.000000e+00 : f32
    %div3A_12 = vector.broadcast %div3A : f32 to vector<10000x1xf32>
    %div3A_13 = arith.divf %div3A_12, %sqrt3A : vector<10000x1xf32>
    %get3A_14 = arith.constant 0 : index
    %get3A_15 = arith.constant 0 : index
    %get3A_16 = vector.load %arg1[%get3A_14, %get3A_15] : memref<10000x128xf32, #tpu.memory_space<vmem>>, vector<10000x128xf32>
    %get3A_17 = arith.constant 0 : index
    %get3A_18 = arith.constant 0 : index
    %get3A_19 = arith.constant 0 : index
    %get3A_20 = vector.load %arg0[%get3A_17, %get3A_18, %get3A_19] : memref<2x10112x128xf32, #tpu.memory_space<vmem>>, vector<1x10000x128xf32>
    %get3A_21 = vector.shape_cast %get3A_20 : vector<1x10000x128xf32> to vector<10000x128xf32>
    %get3A_22 = arith.constant 1 : index
    %get3A_23 = arith.constant 0 : index
    %get3A_24 = arith.constant 0 : index
    %get3A_25 = vector.load %arg0[%get3A_22, %get3A_23, %get3A_24] : memref<2x10112x128xf32, #tpu.memory_space<vmem>>, vector<1x10000x128xf32>
    %get3A_26 = vector.shape_cast %get3A_25 : vector<1x10000x128xf32> to vector<10000x128xf32>
    %add3A_27 = arith.addf %get3A_21, %get3A_26 : vector<10000x128xf32>
    %mul3A = arith.constant 1.000000e+00 : f32
    %mul3A_28 = vector.broadcast %mul3A : f32 to vector<10000x128xf32>
    %mul3A_29 = arith.mulf %mul3A_28, %get3A_16 : vector<10000x128xf32>
    %sub3A = arith.subf %add3A_27, %mul3A_29 : vector<10000x128xf32>
    %mul3A_30 = vector.broadcast %div3A_13 : vector<10000x1xf32> to vector<10000x128xf32>
    %mul3A_31 = arith.mulf %mul3A_30, %sub3A : vector<10000x128xf32>
    %get3A_32 = arith.constant 0 : index
    %get3A_33 = arith.constant 0 : index
    %get3A_34 = vector.load %arg3[%get3A_32, %get3A_33] : memref<1x128xf32, #tpu.memory_space<vmem>>, vector<1x128xf32>
    %add3A_35 = vector.broadcast %get3A_34 : vector<1x128xf32> to vector<10000x128xf32>
    %add3A_36 = arith.addf %mul3A_31, %add3A_35 : vector<10000x128xf32>
    %reduce_sum3A = arith.constant dense<0.000000e+00> : vector<128xf32>
    %reduce_sum3A_37 = vector.multi_reduction <add>, %add3A_36, %reduce_sum3A [0] : vector<10000x128xf32> to vector<128xf32>
    %broadcast_in_dim3A = vector.shape_cast %reduce_sum3A_37 : vector<128xf32> to vector<1x128xf32>
    %div3A_38 = arith.constant 1.000000e+04 : f32
    %div3A_39 = vector.broadcast %div3A_38 : f32 to vector<1x128xf32>
    %div3A_40 = arith.divf %broadcast_in_dim3A, %div3A_39 : vector<1x128xf32>
    %sub3A_41 = vector.broadcast %div3A_40 : vector<1x128xf32> to vector<10000x128xf32>
    %sub3A_42 = arith.subf %add3A_36, %sub3A_41 : vector<10000x128xf32>
    %integer_pow3A = arith.mulf %sub3A_42, %sub3A_42 : vector<10000x128xf32>
    %reduce_sum3A_43 = arith.constant dense<0.000000e+00> : vector<128xf32>
    %reduce_sum3A_44 = vector.multi_reduction <add>, %integer_pow3A, %reduce_sum3A_43 [0] : vector<10000x128xf32> to vector<128xf32>
    %broadcast_in_dim3A_45 = vector.shape_cast %reduce_sum3A_44 : vector<128xf32> to vector<1x128xf32>
    %div3A_46 = arith.constant 1.000000e+04 : f32
    %div3A_47 = vector.broadcast %div3A_46 : f32 to vector<1x128xf32>
    %div3A_48 = arith.divf %broadcast_in_dim3A_45, %div3A_47 : vector<1x128xf32>
    %sub3A_49 = vector.broadcast %div3A_40 : vector<1x128xf32> to vector<10000x128xf32>
    %sub3A_50 = arith.subf %add3A_36, %sub3A_49 : vector<10000x128xf32>
    %add3A_51 = arith.constant 9.99999974E-6 : f32
    %add3A_52 = vector.broadcast %add3A_51 : f32 to vector<1x128xf32>
    %add3A_53 = arith.addf %div3A_48, %add3A_52 : vector<1x128xf32>
    %rsqrt3A = math.rsqrt %add3A_53 : vector<1x128xf32>
    %mul3A_54 = vector.broadcast %rsqrt3A : vector<1x128xf32> to vector<10000x128xf32>
    %mul3A_55 = arith.mulf %sub3A_50, %mul3A_54 : vector<10000x128xf32>
    %max3A = arith.constant 0.000000e+00 : f32
    %max3A_56 = vector.broadcast %max3A : f32 to vector<10000x128xf32>
    %max3A_57 = arith.maximumf %mul3A_55, %max3A_56 : vector<10000x128xf32>
    %get3A_58 = arith.constant 0 : index
    %get3A_59 = arith.constant 0 : index
    %get3A_60 = vector.load %arg4[%get3A_58, %get3A_59] : memref<128x128xf32, #tpu.memory_space<vmem>>, vector<128x128xf32>
    %dot_general3A = arith.constant dense<0.000000e+00> : vector<10000x128xf32>
    %dot_general3A_61 = tpu.matmul %max3A_57, %get3A_60, %dot_general3A {dimension_numbers = #tpu.dot_dimension_numbers<[1], [0], [0], [1], [0, 0, 1, 1], [], []>, transpose_lhs_hint = false} : vector<10000x128xf32>, vector<128x128xf32>, vector<10000x128xf32> -> vector<10000x128xf32>
    %mul3A_62 = vector.broadcast %div3A_13 : vector<10000x1xf32> to vector<10000x128xf32>
    %mul3A_63 = arith.mulf %dot_general3A_61, %mul3A_62 : vector<10000x128xf32>
    %swap3A = arith.constant 0 : index
    %swap3A_64 = arith.constant 0 : index
    %swap3A_65 = vector.load %arg5[%swap3A, %swap3A_64] : memref<10000x128xf32, #tpu.memory_space<vmem>>, vector<10000x128xf32>
    tpu.vector_store %arg5[%swap3A, %swap3A_64], %mul3A_63 {strides = array<i32>} : memref<10000x128xf32, #tpu.memory_space<vmem>>, vector<10000x128xf32>,
    return
  }
}

module attributes {stable_mosaic.version = 14 : i64} {
  func.func @_final_body(%arg0: memref<1xi32, #tpu.memory_space<smem>>, %arg1: memref<2x10112x128xf32, #tpu.memory_space<vmem>>, %arg2: memref<10000x128xf32, #tpu.memory_space<vmem>>, %arg3: memref<2x10112x16xf32, #tpu.memory_space<vmem>>, %arg4: memref<1x128xf32, #tpu.memory_space<vmem>>, %arg5: memref<10000x100xf32, #tpu.memory_space<vmem>>, %arg6: memref<1x100xf32, #tpu.memory_space<vmem>>, %arg7: memref<10000x128xf32, #tpu.memory_space<vmem>>) attributes {dimension_semantics = [], scalar_prefetch = 0 : i64, scratch_operands = 0 : i64, tpu.core_type = #tpu.core_type<tc>} {
    %get3A = arith.constant 0 : index
    %get3A_0 = arith.constant 0 : index
    %get3A_1 = arith.constant 0 : index
    %get3A_2 = vector.load %arg3[%get3A, %get3A_0, %get3A_1] : memref<2x10112x16xf32, #tpu.memory_space<vmem>>, vector<1x10000x1xf32>
    %get3A_3 = vector.shape_cast %get3A_2 : vector<1x10000x1xf32> to vector<10000x1xf32>
    %get3A_4 = arith.constant 1 : index
    %get3A_5 = arith.constant 0 : index
    %get3A_6 = arith.constant 0 : index
    %get3A_7 = vector.load %arg3[%get3A_4, %get3A_5, %get3A_6] : memref<2x10112x16xf32, #tpu.memory_space<vmem>>, vector<1x10000x1xf32>
    %get3A_8 = vector.shape_cast %get3A_7 : vector<1x10000x1xf32> to vector<10000x1xf32>
    %add3A = arith.addf %get3A_3, %get3A_8 : vector<10000x1xf32>
    %add3A_9 = arith.constant 1.000000e+00 : f32
    %add3A_10 = vector.broadcast %add3A_9 : f32 to vector<10000x1xf32>
    %add3A_11 = arith.addf %add3A, %add3A_10 : vector<10000x1xf32>
    %sqrt3A = math.sqrt %add3A_11 : vector<10000x1xf32>
    %div3A = arith.constant 1.000000e+00 : f32
    %div3A_12 = vector.broadcast %div3A : f32 to vector<10000x1xf32>
    %div3A_13 = arith.divf %div3A_12, %sqrt3A : vector<10000x1xf32>
    %get3A_14 = arith.constant 0 : index
    %get3A_15 = arith.constant 0 : index
    %get3A_16 = vector.load %arg2[%get3A_14, %get3A_15] : memref<10000x128xf32, #tpu.memory_space<vmem>>, vector<10000x128xf32>
    %get3A_17 = arith.constant 0 : index
    %get3A_18 = arith.constant 0 : index
    %get3A_19 = arith.constant 0 : index
    %get3A_20 = vector.load %arg1[%get3A_17, %get3A_18, %get3A_19] : memref<2x10112x128xf32, #tpu.memory_space<vmem>>, vector<1x10000x128xf32>
    %get3A_21 = vector.shape_cast %get3A_20 : vector<1x10000x128xf32> to vector<10000x128xf32>
    %get3A_22 = arith.constant 1 : index
    %get3A_23 = arith.constant 0 : index
    %get3A_24 = arith.constant 0 : index
    %get3A_25 = vector.load %arg1[%get3A_22, %get3A_23, %get3A_24] : memref<2x10112x128xf32, #tpu.memory_space<vmem>>, vector<1x10000x128xf32>
    %get3A_26 = vector.shape_cast %get3A_25 : vector<1x10000x128xf32> to vector<10000x128xf32>
    %add3A_27 = arith.addf %get3A_21, %get3A_26 : vector<10000x128xf32>
    %mul3A = arith.constant 1.000000e+00 : f32
    %mul3A_28 = vector.broadcast %mul3A : f32 to vector<10000x128xf32>
    %mul3A_29 = arith.mulf %mul3A_28, %get3A_16 : vector<10000x128xf32>
    %sub3A = arith.subf %add3A_27, %mul3A_29 : vector<10000x128xf32>
    %mul3A_30 = vector.broadcast %div3A_13 : vector<10000x1xf32> to vector<10000x128xf32>
    %mul3A_31 = arith.mulf %mul3A_30, %sub3A : vector<10000x128xf32>
    %get3A_32 = arith.constant 0 : index
    %get3A_33 = arith.constant 0 : index
    %get3A_34 = vector.load %arg4[%get3A_32, %get3A_33] : memref<1x128xf32, #tpu.memory_space<vmem>>, vector<1x128xf32>
    %add3A_35 = vector.broadcast %get3A_34 : vector<1x128xf32> to vector<10000x128xf32>
    %add3A_36 = arith.addf %mul3A_31, %add3A_35 : vector<10000x128xf32>
    %reduce_sum3A = arith.constant dense<0.000000e+00> : vector<128xf32>
    %reduce_sum3A_37 = vector.multi_reduction <add>, %add3A_36, %reduce_sum3A [0] : vector<10000x128xf32> to vector<128xf32>
    %broadcast_in_dim3A = vector.shape_cast %reduce_sum3A_37 : vector<128xf32> to vector<1x128xf32>
    %div3A_38 = arith.constant 1.000000e+04 : f32
    %div3A_39 = vector.broadcast %div3A_38 : f32 to vector<1x128xf32>
    %div3A_40 = arith.divf %broadcast_in_dim3A, %div3A_39 : vector<1x128xf32>
    %sub3A_41 = vector.broadcast %div3A_40 : vector<1x128xf32> to vector<10000x128xf32>
    %sub3A_42 = arith.subf %add3A_36, %sub3A_41 : vector<10000x128xf32>
    %integer_pow3A = arith.mulf %sub3A_42, %sub3A_42 : vector<10000x128xf32>
    %reduce_sum3A_43 = arith.constant dense<0.000000e+00> : vector<128xf32>
    %reduce_sum3A_44 = vector.multi_reduction <add>, %integer_pow3A, %reduce_sum3A_43 [0] : vector<10000x128xf32> to vector<128xf32>
    %broadcast_in_dim3A_45 = vector.shape_cast %reduce_sum3A_44 : vector<128xf32> to vector<1x128xf32>
    %div3A_46 = arith.constant 1.000000e+04 : f32
    %div3A_47 = vector.broadcast %div3A_46 : f32 to vector<1x128xf32>
    %div3A_48 = arith.divf %broadcast_in_dim3A_45, %div3A_47 : vector<1x128xf32>
    %add3A_49 = arith.constant 9.99999974E-6 : f32
    %add3A_50 = vector.broadcast %add3A_49 : f32 to vector<1x128xf32>
    %add3A_51 = arith.addf %div3A_48, %add3A_50 : vector<1x128xf32>
    %rsqrt3A = math.rsqrt %add3A_51 : vector<1x128xf32>
    %sub3A_52 = vector.broadcast %div3A_40 : vector<1x128xf32> to vector<10000x128xf32>
    %sub3A_53 = arith.subf %add3A_36, %sub3A_52 : vector<10000x128xf32>
    %mul3A_54 = vector.broadcast %rsqrt3A : vector<1x128xf32> to vector<10000x128xf32>
    %mul3A_55 = arith.mulf %sub3A_53, %mul3A_54 : vector<10000x128xf32>
    %max3A = arith.constant 0.000000e+00 : f32
    %max3A_56 = vector.broadcast %max3A : f32 to vector<10000x128xf32>
    %max3A_57 = arith.maximumf %mul3A_55, %max3A_56 : vector<10000x128xf32>
    %swap3A = arith.constant 0 : index
    %swap3A_58 = arith.constant 0 : index
    %swap3A_59 = vector.load %arg7[%swap3A, %swap3A_58] : memref<10000x128xf32, #tpu.memory_space<vmem>>, vector<10000x128xf32>
    tpu.vector_store %arg7[%swap3A, %swap3A_58], %max3A_57 {strides = array<i32>} : memref<10000x128xf32, #tpu.memory_space<vmem>>, vector<10000x128xf32>,
    %get3A_60 = arith.constant 0 : index
    %get3A_61 = memref.load %arg0[%get3A_60] : memref<1xi32, #tpu.memory_space<smem>>
    %get3A_62 = arith.constant 0 : index
    %get3A_63 = arith.index_cast %get3A_61 : i32 to index
    %get3A_64 = arith.constant 0 : index
    %get3A_65 = vector.load %arg3[%get3A_62, %get3A_63, %get3A_64] : memref<2x10112x16xf32, #tpu.memory_space<vmem>>, vector<1x1x1xf32>
    %get3A_66 = vector.shape_cast %get3A_65 : vector<1x1x1xf32> to vector<1x1xf32>
    %get3A_67 = arith.constant 1 : index
    %get3A_68 = arith.index_cast %get3A_61 : i32 to index
    %get3A_69 = arith.constant 0 : index
    %get3A_70 = vector.load %arg3[%get3A_67, %get3A_68, %get3A_69] : memref<2x10112x16xf32, #tpu.memory_space<vmem>>, vector<1x1x1xf32>
    %get3A_71 = vector.shape_cast %get3A_70 : vector<1x1x1xf32> to vector<1x1xf32>
    %add3A_72 = arith.addf %get3A_66, %get3A_71 : vector<1x1xf32>
    %add3A_73 = arith.constant 1.000000e+00 : f32
    %add3A_74 = vector.broadcast %add3A_73 : f32 to vector<1x1xf32>
    %add3A_75 = arith.addf %add3A_72, %add3A_74 : vector<1x1xf32>
    %sqrt3A_76 = math.sqrt %add3A_75 : vector<1x1xf32>
    %div3A_77 = arith.constant 1.000000e+00 : f32
    %div3A_78 = vector.broadcast %div3A_77 : f32 to vector<1x1xf32>
    %div3A_79 = arith.divf %div3A_78, %sqrt3A_76 : vector<1x1xf32>
    %get3A_80 = arith.constant 0 : index
    %get3A_81 = arith.index_cast %get3A_61 : i32 to index
    %get3A_82 = arith.constant 0 : index
    %get3A_83 = vector.load %arg1[%get3A_80, %get3A_81, %get3A_82] : memref<2x10112x128xf32, #tpu.memory_space<vmem>>, vector<1x1x128xf32>
    %get3A_84 = vector.shape_cast %get3A_83 : vector<1x1x128xf32> to vector<1x128xf32>
    %get3A_85 = arith.constant 1 : index
    %get3A_86 = arith.index_cast %get3A_61 : i32 to index
    %get3A_87 = arith.constant 0 : index
    %get3A_88 = vector.load %arg1[%get3A_85, %get3A_86, %get3A_87] : memref<2x10112x128xf32, #tpu.memory_space<vmem>>, vector<1x1x128xf32>
    %get3A_89 = vector.shape_cast %get3A_88 : vector<1x1x128xf32> to vector<1x128xf32>
    %add3A_90 = arith.addf %get3A_84, %get3A_89 : vector<1x128xf32>
    %get3A_91 = arith.index_cast %get3A_61 : i32 to index
    %get3A_92 = arith.constant 0 : index
    %get3A_93 = vector.load %arg2[%get3A_91, %get3A_92] : memref<10000x128xf32, #tpu.memory_space<vmem>>, vector<1x128xf32>
    %mul3A_94 = arith.constant 1.000000e+00 : f32
    %mul3A_95 = vector.broadcast %mul3A_94 : f32 to vector<1x128xf32>
    %mul3A_96 = arith.mulf %mul3A_95, %get3A_93 : vector<1x128xf32>
    %sub3A_97 = arith.subf %add3A_90, %mul3A_96 : vector<1x128xf32>
    %mul3A_98 = vector.broadcast %div3A_79 : vector<1x1xf32> to vector<1x128xf32>
    %mul3A_99 = arith.mulf %mul3A_98, %sub3A_97 : vector<1x128xf32>
    %get3A_100 = arith.constant 0 : index
    %get3A_101 = arith.constant 0 : index
    %get3A_102 = vector.load %arg4[%get3A_100, %get3A_101] : memref<1x128xf32, #tpu.memory_space<vmem>>, vector<1x128xf32>
    %add3A_103 = arith.addf %mul3A_99, %get3A_102 : vector<1x128xf32>
    %sub3A_104 = arith.subf %add3A_103, %div3A_40 : vector<1x128xf32>
    %mul3A_105 = arith.mulf %sub3A_104, %rsqrt3A : vector<1x128xf32>
    %max3A_106 = arith.constant 0.000000e+00 : f32
    %max3A_107 = vector.broadcast %max3A_106 : f32 to vector<1x128xf32>
    %max3A_108 = arith.maximumf %mul3A_105, %max3A_107 : vector<1x128xf32>
    %mul3A_109 = vector.broadcast %max3A_108 : vector<1x128xf32> to vector<10000x128xf32>
    %mul3A_110 = arith.mulf %max3A_57, %mul3A_109 : vector<10000x128xf32>
    %reduce_sum3A_111 = arith.constant dense<0.000000e+00> : vector<10000xf32>
    %reduce_sum3A_112 = vector.multi_reduction <add>, %mul3A_110, %reduce_sum3A_111 [1] : vector<10000x128xf32> to vector<10000xf32>
    %broadcast_in_dim3A_113 = vector.shape_cast %reduce_sum3A_112 : vector<10000xf32> to vector<10000x1xf32>
    %get3A_114 = arith.constant 0 : index
    %get3A_115 = arith.constant 0 : index
    %get3A_116 = vector.load %arg5[%get3A_114, %get3A_115] : memref<10000x100xf32, #tpu.memory_space<vmem>>, vector<10000x100xf32>
    %mul3A_117 = vector.broadcast %broadcast_in_dim3A_113 : vector<10000x1xf32> to vector<10000x100xf32>
    %mul3A_118 = arith.mulf %mul3A_117, %get3A_116 : vector<10000x100xf32>
    %reduce_sum3A_119 = arith.constant dense<0.000000e+00> : vector<100xf32>
    %reduce_sum3A_120 = vector.multi_reduction <add>, %mul3A_118, %reduce_sum3A_119 [0] : vector<10000x100xf32> to vector<100xf32>
    %broadcast_in_dim3A_121 = vector.shape_cast %reduce_sum3A_120 : vector<100xf32> to vector<1x100xf32>
    %swap3A_122 = arith.constant 0 : index
    %swap3A_123 = arith.constant 0 : index
    %swap3A_124 = vector.load %arg6[%swap3A_122, %swap3A_123] : memref<1x100xf32, #tpu.memory_space<vmem>>, vector<1x100xf32>
    tpu.vector_store %arg6[%swap3A_122, %swap3A_123], %broadcast_in_dim3A_121 {strides = array<i32>} : memref<1x100xf32, #tpu.memory_space<vmem>>, vector<1x100xf32>,
    return
  }
}

</mosaic_0001>

<sc_bundles>
// kernel: kernel.11.cloned.1.call-start
scs
__scs_entry_jumppad:
0x0: {  	(pc) =	sbr.rel $0x88, $3  }
0x1: {  	(tag) =	ssettag $0x0;
	lr =	simm.s32 $0x1  }
0x2: {  	[smem:$0x3F99] =	sst lr;
	_ =	strace $0xD0000000  }
0x3: {  	_ = 	snop  }
0x4: {  	_ = 	snop  }
0x5: {  	_ = 	snop  }
0x6: {  	_ = 	snop  }
0x7: {  	_ = 	snop  }
__scs_overlays_trampoline_lowered:
0x8: {  	[smem:$0x3FA8] =	sst s0  }
0x9: {  	[smem:$0x3FA9] =	sst s1  }
0xa: {  	[smem:$0x3FAA] =	sst s2  }
0xb: {  	[smem:$0x3FAB] =	sst s3  }
0xc: {  	[smem:$0x3FAC] =	sst s4  }
0xd: {  	[smem:$0x3FAD] =	sst s5  }
0xe: {  	[smem:$0x3FAE] =	sst s6  }
0xf: {  	[smem:$0x3FAF] =	sst s7  }
0x10: {  	[smem:$0x3FB0] =	sst s8  }
0x11: {  	[smem:$0x3FB1] =	sst s9;
	s0 =	simm.s32 @!p0 $0x0  }
0x12: {  	s1 =	sld [smem:$0x3F97];
	s0 =	simm.s32 @p0 $0x1  }
0x13: {  	[smem:$0x3FB2] =	sst s0;
	s0 =	simm.s32 @!p1 $0x0  }
0x14: {  	s2 =	sld [smem:$0x3F96];
	s0 =	simm.s32 @p1 $0x1  }
0x15: {  	[smem:$0x3FB3] =	sst s0;
	s0 =	simm.s32 @!p2 $0x0  }
0x16: {  	s3 =	sld [smem:$0x3FDB];
	s0 =	simm.s32 @p2 $0x1  }
0x17: {  	s4 =	simm.s32 $0x1BF5;
	[smem:$0x3FB5] =	sst s0  }
0x18: {  	s0 =	sld [smem:$0x3F98];
	_ =	swait.ge [sflag:s4], $0x0  }
0x19: {  	s7 =	sld [smem:$0x3F99]  }
0x1a: {  	s8 =	sadd.s32 $0xFFFFE003, lr  }
0x1b: {  	s9 =	sadd.s32 $0xFFFFFEF7, lr;
	s5 =	simm.s32 $0xFFFFFFFF;
	p2 =	slt.u32 s8, $0xFFFFF086  }
0x1c: {  	p1 =	slt.u32 s9, $0xF7A;
	s5 =	simm.s32 @!p2 $0x0  }
0x1d: {  	s5 =	simm.s32 @p1 $0x1;
	p0 =	seq.s32 s7, s2  }
0x1e: {  	s7 =	smul.u32 @!p0 $0xF7A, s2;
	p2 =	seq.s32 @!p0 s5, $0x0  }
0x1f: {  	s9 =	smul.u32 $0xF7A, s1;
	s8 =	simm.s32 @!p0 $0x1BF5;
	p2 =	por !p2, p0  }
0x20: {  	[sflag:s8] =	ssyncset.s32 @!p0 $0xFFFFF086;
	s6 =	sadd.s32 @!p0 s3, s7;
	s7 =	simm.s32 @!p0 $0x108  }
0x21: {  	s3 =	sadd.s32 s3, s9;
	s6 =	sadd.s32 @!p0 $0x88, s6;
	s7 =	simm.s32 @p2 $0x1082  }
0x22: {  	[simem:s7], [sflag:s8] =	dma.local @!p0 [hbm:s6], $0xF7A  }
0x23: {  	s9 =	sor.u32 $0xD0000000, s2;
	s6 =	simm.s32 $0x108;
	_ =	swait.ge @!p0 [sflag:s8], $0x0  }
0x24: {  	s3 =	sadd.s32 $0x88, s3;
	s6 =	simm.s32 @!p1 $0x1082;
	[sflag:s4] =	ssyncset.s32 $0xFFFFF086  }
0x25: {  	[simem:s6], [sflag:s4] =	dma.local [hbm:s3], $0xF7A  }
0x26: {  	[smem:$0x3F99] =	sst s1;
	(tag) =	ssettag s2;
	_ =	strace s9  }
0x27: {  	s1 =	sld [smem:$0x3FA9]  }
0x28: {  	s2 =	sld [smem:$0x3FAA]  }
0x29: {  	s4 =	sld [smem:$0x3FAC]  }
0x2a: {  	p0 =	seq.s32 s5, $0x0;
	s5 =	sld [smem:$0x3FAD]  }
0x2b: {  	s6 =	sld [smem:$0x3FAE]  }
0x2c: {  	s7 =	sld [smem:$0x3FAF]  }
0x2d: {  	s3 =	simm.s32 $0x108;
	s8 =	sld [smem:$0x3FB0]  }
0x2e: {  	s3 =	simm.s32 @!p0 $0x1082;
	s9 =	sld [smem:$0x3FB1]  }
0x2f: {  	lr =	sadd.s32 s0, s3;
	s0 =	sld [smem:$0x3FA8]  }
0x30: {  	s3 =	sld [smem:$0x3FAB]  }
0x31: {  	[smem:$0x3FB4] =	sst s10  }
0x32: {  	s10 =	sld [smem:$0x3FB2];
	_ =	sdelay $0x3  }
0x33: {  	p0 =	seq.s32 s10, $0x1;
	s10 =	sld [smem:$0x3FB4];
	_ =	sdelay $0x3  }
0x34: {  	[smem:$0x3FB4] =	sst s10  }
0x35: {  	s10 =	sld [smem:$0x3FB3];
	_ =	sdelay $0x3  }
0x36: {  	p1 =	seq.s32 s10, $0x1;
	s10 =	sld [smem:$0x3FB4];
	_ =	sdelay $0x3  }
0x37: {  	[smem:$0x3FB4] =	sst s10  }
0x38: {  	s10 =	sld [smem:$0x3FB5]  }
0x39: {  	_ = 	snop;
	(pc) =	sbr.ind lr, $3  }
0x3a: {  	_ = 	snop  }
0x3b: {  	_ = 	snop  }
0x3c: {  	p2 =	seq.s32 s10, $0x1;
	s10 =	sld [smem:$0x3FB4]  }
0x3d: {  	_ =	shalt  }
0x3e: {  	_ =	shalt  }
0x3f: {  	_ =	shalt  }
0x40: {  	_ =	shalt  }
0x41: {  	_ =	shalt  }
0x42: {  	_ =	shalt  }
0x43: {  	_ =	shalt  }
0x44: {  	_ =	shalt  }
0x45: {  	_ =	shalt  }
0x46: {  	_ =	shalt  }
0x47: {  	_ =	shalt  }
0x48: {  	_ =	shalt  }
0x49: {  	_ =	shalt  }
0x4a: {  	_ =	shalt  }
0x4b: {  	_ =	shalt  }
0x4c: {  	_ =	shalt  }
0x4d: {  	_ =	shalt  }
0x4e: {  	_ =	shalt  }
0x4f: {  	_ =	shalt  }
0x50: {  	_ =	shalt  }
0x51: {  	_ =	shalt  }
0x52: {  	_ =	shalt  }
0x53: {  	_ =	shalt  }
0x54: {  	_ =	shalt  }
0x55: {  	_ =	shalt  }
0x56: {  	_ =	shalt  }
0x57: {  	_ =	shalt  }
0x58: {  	_ =	shalt  }
0x59: {  	_ =	shalt  }
0x5a: {  	_ =	shalt  }
0x5b: {  	_ =	shalt  }
0x5c: {  	_ =	shalt  }
0x5d: {  	_ =	shalt  }
0x5e: {  	_ =	shalt  }
0x5f: {  	_ =	shalt  }
0x60: {  	_ =	shalt  }
0x61: {  	_ =	shalt  }
0x62: {  	_ =	shalt  }
0x63: {  	_ =	shalt  }
0x64: {  	_ =	shalt  }
0x65: {  	_ =	shalt  }
0x66: {  	_ =	shalt  }
0x67: {  	_ =	shalt  }
0x68: {  	_ =	shalt  }
0x69: {  	_ =	shalt  }
0x6a: {  	_ =	shalt  }
0x6b: {  	_ =	shalt  }
0x6c: {  	_ =	shalt  }
0x6d: {  	_ =	shalt  }
0x6e: {  	_ =	shalt  }
0x6f: {  	_ =	shalt  }
0x70: {  	_ =	shalt  }
0x71: {  	_ =	shalt  }
0x72: {  	_ =	shalt  }
0x73: {  	_ =	shalt  }
0x74: {  	_ =	shalt  }
0x75: {  	_ =	shalt  }
0x76: {  	_ =	shalt  }
0x77: {  	_ =	shalt  }
0x78: {  	_ =	shalt  }
0x79: {  	_ =	shalt  }
0x7a: {  	_ =	shalt  }
0x7b: {  	_ =	shalt  }
0x7c: {  	_ =	shalt  }
0x7d: {  	_ =	shalt  }
0x7e: {  	_ =	shalt  }
0x7f: {  	_ =	shalt  }
0x80: {  	_ =	shalt  }
0x81: {  	_ =	shalt  }
0x82: {  	_ =	shalt  }
0x83: {  	_ =	shalt  }
0x84: {  	_ =	shalt  }
0x85: {  	_ =	shalt  }
0x86: {  	_ =	shalt  }
0x87: {  	_ =	shalt  }
.Lfunc_end0:
.L_simem_size_0:
called_computation.1_lowered:
.L_overlay_start_0:
0x88: {  	s2 =	sld [smem:$0x3FD9]  }
0x89: {  	s3 =	sld [smem:$0x3FFE];
	_ =	sdelay $0x1  }
0x8a: {  	s1 =	srdreg.scid  }
0x8b: {  	s0 =	sand.u32 $0x1, s1  }
0x8c: {  	s14 =	sshll.u32 s0, $0xA;
	s2 =	sadd.s32 s3, s2  }
0x8d: {  	s2 =	sadd.s32 s2, s14  }
0x8e: {  	[smem:$0x3FC0] =	sst s2  }
0x8f: {  	_ = 	snop  }
0x90: {  	s2 =	sld [smem:$0x3FD0];
	_ =	sdelay $0x2  }
0x91: {  	s15 =	simm.s32 $0xA;
	s4 =	simm.s32 $0x10  }
0x92: {  	[smem:s4], [sflag:s15] =	dma.local [hbm:s2], $0x1  }
0x93: {  	_ =	swait.eq [sflag:s15], $0x1  }
0x94: {  	[sflag:s15] =	ssyncset.done $0x0  }
0x95: {  	[sflag:s15] =	ssyncadd.s32 $0xFFFFFFFF  }
0x96: {  	s16 =	sld [smem:$0x11];
	(tm) =	ssettm $0x1  }
0x97: {  	s17 =	sld [smem:$0x3FFB];
	_ =	sdelay $0x3  }
0x98: {  	_ =	strace s17  }
0x99: {  	s3 =	sld [smem:$0x3FFC];
	_ =	sdelay $0x3  }
0x9a: {  	_ =	strace s3  }
0x9b: {  	s3 =	sld [smem:$0x3FFD];
	_ =	sdelay $0x3  }
0x9c: {  	_ =	strace s3  }
0x9d: {  	_ =	strace $0x8FFFFFFF  }
0x9e: {  	s18 =	sld [smem:$0x3FDB];
	_ =	sdelay $0x1  }
0x9f: {  	s19 =	simm.s32 $_scs_section_size  }
0xa0: {  	s5 =	simm.s32 $_size__tile_overlayer_lowered;
	s6 =	simm.s32 $_tile_overlayer_lowered  }
0xa1: {  	s22 =	simm.s32 $0x1BFF;
	s21 =	sshll.u32 s6, $0x1;
	s3 =	sadd.s32 s19, s18  }
0xa2: {  	s7 =	simm.s32 $0x0;
	s20 =	sshll.u32 s5, $0x1;
	s5 =	sadd.s32 s21, s3  }
0xa3: {  	[timem:s7], [sflag:s22] =	dma.local [hbm:s5], s20  }
0xa4: {  	_ =	swait.ge [sflag:s22], s20  }
0xa5: {  	s4 =	ssub.s32 $0x0, s20;
	[sflag:s22] =	ssyncset.done $0x0  }
0xa6: {  	[sflag:s22] =	ssyncadd.s32 s4;
	_ =	sdelay $0x1  }
0xa7: {  	s23 =	simm.s32 $0x1B8B  }
0xa8: {  	_ =	swait.ge [sflag:s23], $0x1  }
0xa9: {  	[sflag:s23] =	ssyncset.done $0x0  }
0xaa: {  	s25 =	simm.s32 $0x1B8E;
	s24 =	sld [smem:$0x3FFE];
	[sflag:s23] =	ssyncadd.s32 $0xFFFFFFFF  }
0xab: {  	s26 =	simm.s32 $execute0_lowered;
	[smem:$0x3FD2] =	sst s25  }
0xac: {  	s5 =	sshll.u32 s26, $0x1;
	_ =	strace $0x80000049;
	[dreg:$0x1] =	wrdreg $0xFFFFFFFF  }
0xad: {  	s28 =	simm.s32 $_size_execute0_lowered;
	s3 =	sadd.s32 s3, s5;
	[dreg:$0x0] =	wrdreg $0x0  }
0xae: {  	s5 =	sshll.u32 s28, $0x1;
	[dreg:$0x2] =	wrdreg s3  }
0xaf: {  	[dreg:$0x3] =	wrdreg s5  }
0xb0: {  	[dreg:$0x4] =	wrdreg $0xC0  }
0xb1: {  	_ =	task [dreg:s7], $0x5FFFF  }
0xb2: {  	[dreg:$0x1] =	wrdreg $0xFFFFFFFF  }
0xb3: {  	[dreg:$0x0] =	wrdreg $0x60  }
0xb4: {  	[dreg:$0x2] =	wrdreg s16  }
0xb5: {  	[dreg:$0x3] =	wrdreg s24  }
0xb6: {  	[dreg:$0x4] =	wrdreg $0x0  }
0xb7: {  	[dreg:$0x5] =	wrdreg $0x9  }
0xb8: {  	_ =	task.clear_ibuf [dreg:s7], $0x6FFFF;
	_ =	strace $0x90000049  }
0xb9: {  	s29 =	simm.s32 $0x9;
	_ =	strace $0x8000004B  }
0xba: {  	_ =	swait.ge [sflag:s29], $0x1  }
0xbb: {  	[sflag:s29] =	ssyncadd.s32 $0xFFFFFFFF  }
0xbc: {  	_ =	strace $0x9000004B  }
0xbd: {  	_ =	sfence  }
0xbe: {  	s30 =	sld [smem:$0x0];
	_ =	sdelay $0x2  }
0xbf: {  	s31 =	sshll.u32 s1, $0xD;
	s1 =	sshrl.u32 s1, $0x2  }
0xc0: {  	s3 =	sand.u32 $0x4000, s31;
	s1 =	sadd.s32 s1, s30  }
0xc1: {  	s0 =	sor.u32 s3, s0;
	s1 =	sshll.u32 s1, $0x11  }
0xc2: {  	s0 =	sor.u32 s1, s0  }
0xc3: {  	s0 =	sadd.s32 $0x8F2B, s0  }
0xc4: {  	[sflag:s0] =	ssyncadd.remote.s32 $0x1  }
0xc5: {  	_ =	sfence.sel $0xFFFF  }
0xc6: {  	[dreg:$0x0] =	wrdreg $0xFFFFFFFF;
	(pc) =	sbr.abs _section_cstart, $3  }
0xc7: {  	[dreg:$0x1] =	wrdreg $0xFFFFFFFF  }
0xc8: {  	_ =	task.clear_ibuf [dreg:s7], $0x2FFFF;
	_ =	strace $0x9FFFFFFF  }
0xc9: {  	(tm) =	ssettm $0x7FFFFFFF  }
tec
execute0_lowered:
.L_overlay_start_1:
0x0: {  	(tag) =	ssettag $0x1  }
0x1: {  	s1 =	rddreg [dreg:$0x0]  }
0x2: {  	s6 =	rddreg [dreg:$0x1]  }
0x3: {  	s0 =	srdreg.scid;
	s3 =	rddreg [dreg:$0x2]  }
0x4: {  	s4 =	simm.s32 $0x0;
	s15 =	simm.s32 $0x13C00;
	s16 =	simm.s32 $0x1  }
0x5: {  	s17 =	simm.s32 $0x16400;
	s18 =	simm.s32 $0x80;
	s5 =	sand.u32 $0x1, s0  }
0x6: {  	s19 =	simm.s32 $0x18C00;
	s0 =	stileid.u32;
	s8 =	smul.u32 $0x13C000, s5  }
0x7: {  	s22 =	simm.s32 $0x0;
	[smem:$0x7FF] =	sst s4;
	s9 =	smul.u32 $0x13C00, s0  }
0x8: {  	s14 =	sadd.s32 $0x138800, s3;
	s2 =	sshll.u32 s5, $0x4;
	s29 =	smul.u32 $0x4F000, s0  }
0x9: {  	s5 =	ssub.s32 $0x2, s5;
	s11 =	smul.u32 $0x2780, s0;
	p0 =	seq.s32 s0, $0xF  }
0xa: {  	s20 =	sshll.u32 s0, $0x6;
	s2 =	sor.u32 s0, s2;
	s30 =	sshrl.u32 s5, $0x1  }
0xb: {  	s20 =	sor.u32 $0x1C01, s20;
	s7 =	smul.u32 $0x500, s2;
	s2 =	rddreg [dreg:$0x3]  }
0xc: {  	_ =	strace $0x8000004A;
	s28 =	sadd.s32 s9, s8;
	s13 =	ssub.s32 s5, s30  }
0xd: {  	s31 =	sshrl.u32 s29, $0x2;
	s5 =	sadd.s32 s1, s11;
	s11 =	sadd.s32 $0x128400, s3  }
0xe: {  	s21 =	sadd.s32 s31, s3;
	s10 =	sadd.s32 s7, s6;
	s7 =	sshrl.u32 s28, $0x3  }
0xf: {  	s11 =	sshrl.u32 @p0 s11, $0x3;
	s12 =	sadd.s32 s7, s6;
	s6 =	sadd.s32 $0x25080, s1  }
0x10: {  	s7 =	sadd.s32 $0x5BA00, s10;
	s8 =	sadd.s32 $0x2A00, s10;
	s10 =	smax.u32 s13, $0x1  }
0x11: {  	s13 =	sshll.u32 @!p0 s0, $0x6;
	s9 =	sadd.s32 $0x65A00, s12;
	s12 =	sshrl.u32 @p0 s14, $0x3  }
0x12: {  	s13 =	sor.u32 @!p0 $0x1C01, s13;
	s14 =	sshrl.u32 @!p0 s21, $0x3;
	s21 =	sshrl.u32 s21, $0x3  }
.LBB2_1:
0x13: {  	s23 =	simm.s32 @p0 $0x1FC1;
	s24 =	simm.s32 @p0 $0x1  }
0x14: {  	[spmem:s11], [sflag:s23] =	dma.local @p0 [hbm:s6], $0x2080  }
0x15: {  	_ =	swait.ge @p0 [sflag:s24], $0x2080  }
0x16: {  	[sflag:s24] =	ssyncset.done @p0 $0x0  }
0x17: {  	[sflag:s24] =	ssyncadd.s32 @p0 $0xFFFFDF80  }
0x18: {  	[spmem:s12], [sflag:s23] =	dma.local @p0 [hbm:s1], $0x700  }
0x19: {  	_ =	swait.ge @p0 [sflag:s24], $0x700  }
0x1a: {  	[sflag:s24] =	ssyncset.done @p0 $0x0  }
0x1b: {  	s23 =	simm.s32 @!p0 $0x1;
	[sflag:s24] =	ssyncadd.s32 @p0 $0xFFFFF900  }
0x1c: {  	[spmem:s14], [sflag:s13] =	dma.local @!p0 [hbm:s5], $0x2780  }
0x1d: {  	_ =	swait.ge @!p0 [sflag:s23], $0x2780  }
0x1e: {  	[sflag:s23] =	ssyncset.done @!p0 $0x0  }
0x1f: {  	[sflag:s23] =	ssyncadd.s32 @!p0 $0xFFFFD880  }
0x20: {  	[bflag:$0x0] =	sbarrier.arrive $0xFFFF  }
0x21: {  	[tilespmem:s15], [sflag:$0x1] =	stream.linear.gather [hbm4b:s7+s4], $0x2780, $0x38;
	[tilespmem:$0x1CC00] =	vst v63  }
0x22: {  	_ =	swait.ge [sflag:s16], $0x2780  }
0x23: {  	[sflag:s16] =	ssyncset.done $0x0  }
0x24: {  	[sflag:s16] =	ssyncadd.s32 $0xFFFFD880  }
0x25: {  	[tilespmem:s17], [sflag:$0x1] =	stream.linear.gather [hbm4b:s8+s4], $0x2780, $0x38;
	[tilespmem:$0x1CC00] =	vst v63  }
0x26: {  	_ =	swait.ge [sflag:s16], $0x2780  }
0x27: {  	[sflag:s16] =	ssyncset.done $0x0  }
0x28: {  	s30 =	simm.s32 $0x13C00;
	[sflag:s16] =	ssyncadd.s32 $0xFFFFD880  }
0x29: {  	[tilespmem:s19], [sflag:$0x1] =	stream.indirect.gather [hbm4b:s1+s18], $0x80, s30, s18, $0xb8;
	[tilespmem:$0x1CC00] =	vst v63  }
0x2a: {  	_ =	swait.ge [sflag:s16], $0x4000  }
0x2b: {  	[sflag:s16] =	ssyncset.done $0x0  }
0x2c: {  	s31 =	simm.s32 $0x16400;
	[sflag:s16] =	ssyncadd.s32 $0xFFFFC000  }
0x2d: {  	[spmem:s3] =	stream.indirect.scatter.add.f32 [tilespmem:s19], [sflag:$0x1], $0x80, s31, s18, $0xb8;
	[tilespmem:$0x1CC00] =	vst v63  }
0x2e: {  	_ =	swait.ge [sflag:s16], $0x4000  }
0x2f: {  	s24 =	simm.s32 $0x400;
	s23 =	simm.s32 $0x80;
	[sflag:s16] =	ssyncset.done $0x0  }
.LBB2_2:
0x30: {  	s25 =	sadd.s32 $0x13C00, s23  }
0x31: {  	[sflag:s16] =	ssyncadd.s32 $0xFFFFC000;
	s26 =	smov.u32 s24;
	s28 =	sadd.s32 $0x200, s24  }
0x32: {  	[tilespmem:s19], [sflag:$0x1] =	stream.indirect.gather [hbm4b:s1+s18], $0x80, s25, s18, $0xb8;
	[tilespmem:$0x1CC00] =	vst v63  }
0x33: {  	p1 =	sne.s32 s24, $0x9C00;
	_ =	swait.ge [sflag:s16], $0x4000  }
.Ltmp0:
0x34: {  	[sflag:s16] =	ssyncset.done $0x0;
	(pc) =	sbr.rel @p1 .LBB2_2-.Ltmp0, $4  }
0x35: {  	s23 =	sadd.s32 $0x16400, s23;
	[sflag:s16] =	ssyncadd.s32 $0xFFFFC000  }
0x36: {  	[spmem:s3] =	stream.indirect.scatter.add.f32 [tilespmem:s19], [sflag:$0x1], $0x80, s23, s18, $0xb8;
	[tilespmem:$0x1CC00] =	vst v63  }
0x37: {  	_ =	swait.ge [sflag:s16], $0x4000  }
0x38: {  	s24 =	smov.u32 s28;
	s23 =	sshra.s32 s26, $0x2;
	[sflag:s16] =	ssyncset.done $0x0  }
0x39: {  	s24 =	sadd.s32 $0x13C00, s23;
	[sflag:s16] =	ssyncadd.s32 $0xFFFFC000  }
0x3a: {  	[tilespmem:s19], [sflag:$0x1] =	stream.indirect.gather [hbm4b:s1+s18], $0x80, s24, s18, $0xb8;
	[tilespmem:$0x1CC00] =	vst v63  }
0x3b: {  	_ =	swait.ge [sflag:s16], $0x4000  }
0x3c: {  	[sflag:s16] =	ssyncset.done $0x0  }
0x3d: {  	s31 =	sadd.s32 $0x16400, s23;
	[sflag:s16] =	ssyncadd.s32 $0xFFFFC000  }
0x3e: {  	[spmem:s3] =	stream.indirect.scatter.add.f32 [tilespmem:s19], [sflag:$0x1], $0x80, s31, s18, $0xb8;
	[tilespmem:$0x1CC00] =	vst v63  }
0x3f: {  	_ =	swait.ge [sflag:s16], $0x4000  }
0x40: {  	s22 =	sadd.s32 $0x1, s22;
	[sflag:s16] =	ssyncset.done $0x0  }
0x41: {  	p1 =	sne.s32 s22, s10;
	[sflag:s16] =	ssyncadd.s32 $0xFFFFC000  }
.Ltmp1:
0x42: {  	[bflag:$0x0] =	sbarrier.arrive $0xFFFF;
	(pc) =	sbr.rel @p1 .LBB2_1-.Ltmp1, $4  }
0x43: {  	[hbm:s9], [sflag:s20] =	dma.local [spmem:s21], $0x2780  }
0x44: {  	_ =	swait.ge [sflag:s16], $0x2780  }
0x45: {  	[sflag:s16] =	ssyncset.done $0x0  }
0x46: {  	[sflag:s16] =	ssyncadd.s32 $0xFFFFD880  }
0x47: {  	_ =	sfence.sel $0x180000  }
0x48: {  	[bflag:$0x0] =	sbarrier.arrive $0xFFFF  }
0x49: {  	p0 =	sne.s32 s0, $0x0;
	_ =	strace $0x9000004A  }
0x4a: {  	s0 =	sadd.s32 @!p0 $0x100000, s2;
	[bflag:$0x2] =	sbarrier.arrive $0xFFFF  }
0x4b: {  	[sflag:s0] =	ssyncadd.tile.s32 @!p0 $0x1;
	_ =	shalt  }
.Lfunc_end2:
_tile_overlayer_lowered:
.L_overlay_start_2:
0x4c: {  	(tag) =	ssettag $0x2  }
0x4d: {  	s0 =	rddreg [dreg:$0x0];
	s2 =	stileid.u32  }
0x4e: {  	s1 =	rddreg [dreg:$0x1];
	p0 =	sne.s32 s2, $0x0  }
0x4f: {  	s3 =	rddreg [dreg:$0x2];
	[bflag:$0x3] =	sbarrier.arrive $0xFFFF;
	s2 =	simm.s32 @!p0 $0x1C01  }
0x50: {  	[timem:s3], [sflag:s2] =	dma.local @!p0 [hbm:s0], s1  }
0x51: {  	s0 =	simm.s32 @!p0 $0x1  }
0x52: {  	_ =	swait.ge @!p0 [sflag:s0], s1  }
0x53: {  	s1 =	ssub.s32 @!p0 $0x0, s1;
	[sflag:s0] =	ssyncset.done @!p0 $0x0  }
0x54: {  	[sflag:s0] =	ssyncadd.s32 @!p0 s1  }
0x55: {  	[bflag:$0x3] =	sbarrier.arrive $0xFFFF  }
0x56: {  	_ =	shalt  }

// kernel: kernel.14.cloned.1.call-start
scs
__scs_entry_jumppad:
0x0: {  	(pc) =	sbr.rel $0x88, $3  }
0x1: {  	(tag) =	ssettag $0x0;
	lr =	simm.s32 $0x1  }
0x2: {  	[smem:$0x3F99] =	sst lr;
	_ =	strace $0xD0000000  }
0x3: {  	_ = 	snop  }
0x4: {  	_ = 	snop  }
0x5: {  	_ = 	snop  }
0x6: {  	_ = 	snop  }
0x7: {  	_ = 	snop  }
__scs_overlays_trampoline_lowered:
0x8: {  	[smem:$0x3FA8] =	sst s0  }
0x9: {  	[smem:$0x3FA9] =	sst s1  }
0xa: {  	[smem:$0x3FAA] =	sst s2  }
0xb: {  	[smem:$0x3FAB] =	sst s3  }
0xc: {  	[smem:$0x3FAC] =	sst s4  }
0xd: {  	[smem:$0x3FAD] =	sst s5  }
0xe: {  	[smem:$0x3FAE] =	sst s6  }
0xf: {  	[smem:$0x3FAF] =	sst s7  }
0x10: {  	[smem:$0x3FB0] =	sst s8  }
0x11: {  	[smem:$0x3FB1] =	sst s9;
	s0 =	simm.s32 @!p0 $0x0  }
0x12: {  	s1 =	sld [smem:$0x3F97];
	s0 =	simm.s32 @p0 $0x1  }
0x13: {  	[smem:$0x3FB2] =	sst s0;
	s0 =	simm.s32 @!p1 $0x0  }
0x14: {  	s2 =	sld [smem:$0x3F96];
	s0 =	simm.s32 @p1 $0x1  }
0x15: {  	[smem:$0x3FB3] =	sst s0;
	s0 =	simm.s32 @!p2 $0x0  }
0x16: {  	s3 =	sld [smem:$0x3FDB];
	s0 =	simm.s32 @p2 $0x1  }
0x17: {  	s4 =	simm.s32 $0x1BF5;
	[smem:$0x3FB5] =	sst s0  }
0x18: {  	s0 =	sld [smem:$0x3F98];
	_ =	swait.ge [sflag:s4], $0x0  }
0x19: {  	s7 =	sld [smem:$0x3F99]  }
0x1a: {  	s8 =	sadd.s32 $0xFFFFE003, lr  }
0x1b: {  	s9 =	sadd.s32 $0xFFFFFEF7, lr;
	s5 =	simm.s32 $0xFFFFFFFF;
	p2 =	slt.u32 s8, $0xFFFFF086  }
0x1c: {  	p1 =	slt.u32 s9, $0xF7A;
	s5 =	simm.s32 @!p2 $0x0  }
0x1d: {  	s5 =	simm.s32 @p1 $0x1;
	p0 =	seq.s32 s7, s2  }
0x1e: {  	s7 =	smul.u32 @!p0 $0xF7A, s2;
	p2 =	seq.s32 @!p0 s5, $0x0  }
0x1f: {  	s9 =	smul.u32 $0xF7A, s1;
	s8 =	simm.s32 @!p0 $0x1BF5;
	p2 =	por !p2, p0  }
0x20: {  	[sflag:s8] =	ssyncset.s32 @!p0 $0xFFFFF086;
	s6 =	sadd.s32 @!p0 s3, s7;
	s7 =	simm.s32 @!p0 $0x108  }
0x21: {  	s3 =	sadd.s32 s3, s9;
	s6 =	sadd.s32 @!p0 $0x88, s6;
	s7 =	simm.s32 @p2 $0x1082  }
0x22: {  	[simem:s7], [sflag:s8] =	dma.local @!p0 [hbm:s6], $0xF7A  }
0x23: {  	s9 =	sor.u32 $0xD0000000, s2;
	s6 =	simm.s32 $0x108;
	_ =	swait.ge @!p0 [sflag:s8], $0x0  }
0x24: {  	s3 =	sadd.s32 $0x88, s3;
	s6 =	simm.s32 @!p1 $0x1082;
	[sflag:s4] =	ssyncset.s32 $0xFFFFF086  }
0x25: {  	[simem:s6], [sflag:s4] =	dma.local [hbm:s3], $0xF7A  }
0x26: {  	[smem:$0x3F99] =	sst s1;
	(tag) =	ssettag s2;
	_ =	strace s9  }
0x27: {  	s1 =	sld [smem:$0x3FA9]  }
0x28: {  	s2 =	sld [smem:$0x3FAA]  }
0x29: {  	s4 =	sld [smem:$0x3FAC]  }
0x2a: {  	p0 =	seq.s32 s5, $0x0;
	s5 =	sld [smem:$0x3FAD]  }
0x2b: {  	s6 =	sld [smem:$0x3FAE]  }
0x2c: {  	s7 =	sld [smem:$0x3FAF]  }
0x2d: {  	s3 =	simm.s32 $0x108;
	s8 =	sld [smem:$0x3FB0]  }
0x2e: {  	s3 =	simm.s32 @!p0 $0x1082;
	s9 =	sld [smem:$0x3FB1]  }
0x2f: {  	lr =	sadd.s32 s0, s3;
	s0 =	sld [smem:$0x3FA8]  }
0x30: {  	s3 =	sld [smem:$0x3FAB]  }
0x31: {  	[smem:$0x3FB4] =	sst s10  }
0x32: {  	s10 =	sld [smem:$0x3FB2];
	_ =	sdelay $0x3  }
0x33: {  	p0 =	seq.s32 s10, $0x1;
	s10 =	sld [smem:$0x3FB4];
	_ =	sdelay $0x3  }
0x34: {  	[smem:$0x3FB4] =	sst s10  }
0x35: {  	s10 =	sld [smem:$0x3FB3];
	_ =	sdelay $0x3  }
0x36: {  	p1 =	seq.s32 s10, $0x1;
	s10 =	sld [smem:$0x3FB4];
	_ =	sdelay $0x3  }
0x37: {  	[smem:$0x3FB4] =	sst s10  }
0x38: {  	s10 =	sld [smem:$0x3FB5]  }
0x39: {  	_ = 	snop;
	(pc) =	sbr.ind lr, $3  }
0x3a: {  	_ = 	snop  }
0x3b: {  	_ = 	snop  }
0x3c: {  	p2 =	seq.s32 s10, $0x1;
	s10 =	sld [smem:$0x3FB4]  }
0x3d: {  	_ =	shalt  }
0x3e: {  	_ =	shalt  }
0x3f: {  	_ =	shalt  }
0x40: {  	_ =	shalt  }
0x41: {  	_ =	shalt  }
0x42: {  	_ =	shalt  }
0x43: {  	_ =	shalt  }
0x44: {  	_ =	shalt  }
0x45: {  	_ =	shalt  }
0x46: {  	_ =	shalt  }
0x47: {  	_ =	shalt  }
0x48: {  	_ =	shalt  }
0x49: {  	_ =	shalt  }
0x4a: {  	_ =	shalt  }
0x4b: {  	_ =	shalt  }
0x4c: {  	_ =	shalt  }
0x4d: {  	_ =	shalt  }
0x4e: {  	_ =	shalt  }
0x4f: {  	_ =	shalt  }
0x50: {  	_ =	shalt  }
0x51: {  	_ =	shalt  }
0x52: {  	_ =	shalt  }
0x53: {  	_ =	shalt  }
0x54: {  	_ =	shalt  }
0x55: {  	_ =	shalt  }
0x56: {  	_ =	shalt  }
0x57: {  	_ =	shalt  }
0x58: {  	_ =	shalt  }
0x59: {  	_ =	shalt  }
0x5a: {  	_ =	shalt  }
0x5b: {  	_ =	shalt  }
0x5c: {  	_ =	shalt  }
0x5d: {  	_ =	shalt  }
0x5e: {  	_ =	shalt  }
0x5f: {  	_ =	shalt  }
0x60: {  	_ =	shalt  }
0x61: {  	_ =	shalt  }
0x62: {  	_ =	shalt  }
0x63: {  	_ =	shalt  }
0x64: {  	_ =	shalt  }
0x65: {  	_ =	shalt  }
0x66: {  	_ =	shalt  }
0x67: {  	_ =	shalt  }
0x68: {  	_ =	shalt  }
0x69: {  	_ =	shalt  }
0x6a: {  	_ =	shalt  }
0x6b: {  	_ =	shalt  }
0x6c: {  	_ =	shalt  }
0x6d: {  	_ =	shalt  }
0x6e: {  	_ =	shalt  }
0x6f: {  	_ =	shalt  }
0x70: {  	_ =	shalt  }
0x71: {  	_ =	shalt  }
0x72: {  	_ =	shalt  }
0x73: {  	_ =	shalt  }
0x74: {  	_ =	shalt  }
0x75: {  	_ =	shalt  }
0x76: {  	_ =	shalt  }
0x77: {  	_ =	shalt  }
0x78: {  	_ =	shalt  }
0x79: {  	_ =	shalt  }
0x7a: {  	_ =	shalt  }
0x7b: {  	_ =	shalt  }
0x7c: {  	_ =	shalt  }
0x7d: {  	_ =	shalt  }
0x7e: {  	_ =	shalt  }
0x7f: {  	_ =	shalt  }
0x80: {  	_ =	shalt  }
0x81: {  	_ =	shalt  }
0x82: {  	_ =	shalt  }
0x83: {  	_ =	shalt  }
0x84: {  	_ =	shalt  }
0x85: {  	_ =	shalt  }
0x86: {  	_ =	shalt  }
0x87: {  	_ =	shalt  }
.Lfunc_end0:
.L_simem_size_0:
called_computation.2_lowered:
.L_overlay_start_0:
0x88: {  	s2 =	sld [smem:$0x3FD9]  }
0x89: {  	s3 =	sld [smem:$0x3FFE];
	_ =	sdelay $0x1  }
0x8a: {  	s1 =	srdreg.scid  }
0x8b: {  	s0 =	sand.u32 $0x1, s1  }
0x8c: {  	s14 =	sshll.u32 s0, $0xA;
	s2 =	sadd.s32 s3, s2  }
0x8d: {  	s2 =	sadd.s32 s2, s14  }
0x8e: {  	[smem:$0x3FC0] =	sst s2  }
0x8f: {  	_ = 	snop  }
0x90: {  	s2 =	sld [smem:$0x3FD0];
	_ =	sdelay $0x2  }
0x91: {  	s15 =	simm.s32 $0xA;
	s4 =	simm.s32 $0x10  }
0x92: {  	[smem:s4], [sflag:s15] =	dma.local [hbm:s2], $0x1  }
0x93: {  	_ =	swait.eq [sflag:s15], $0x1  }
0x94: {  	[sflag:s15] =	ssyncset.done $0x0  }
0x95: {  	[sflag:s15] =	ssyncadd.s32 $0xFFFFFFFF  }
0x96: {  	s16 =	sld [smem:$0x11];
	(tm) =	ssettm $0x1  }
0x97: {  	s17 =	sld [smem:$0x3FFB];
	_ =	sdelay $0x3  }
0x98: {  	_ =	strace s17  }
0x99: {  	s3 =	sld [smem:$0x3FFC];
	_ =	sdelay $0x3  }
0x9a: {  	_ =	strace s3  }
0x9b: {  	s3 =	sld [smem:$0x3FFD];
	_ =	sdelay $0x3  }
0x9c: {  	_ =	strace s3  }
0x9d: {  	_ =	strace $0x8FFFFFFF  }
0x9e: {  	s18 =	sld [smem:$0x3FDB];
	_ =	sdelay $0x1  }
0x9f: {  	s19 =	simm.s32 $_scs_section_size  }
0xa0: {  	s5 =	simm.s32 $_size__tile_overlayer_lowered;
	s6 =	simm.s32 $_tile_overlayer_lowered  }
0xa1: {  	s22 =	simm.s32 $0x1BFF;
	s21 =	sshll.u32 s6, $0x1;
	s3 =	sadd.s32 s19, s18  }
0xa2: {  	s7 =	simm.s32 $0x0;
	s20 =	sshll.u32 s5, $0x1;
	s5 =	sadd.s32 s21, s3  }
0xa3: {  	[timem:s7], [sflag:s22] =	dma.local [hbm:s5], s20  }
0xa4: {  	_ =	swait.ge [sflag:s22], s20  }
0xa5: {  	s4 =	ssub.s32 $0x0, s20;
	[sflag:s22] =	ssyncset.done $0x0  }
0xa6: {  	[sflag:s22] =	ssyncadd.s32 s4;
	_ =	sdelay $0x1  }
0xa7: {  	s23 =	simm.s32 $0x1B8B  }
0xa8: {  	_ =	swait.ge [sflag:s23], $0x1  }
0xa9: {  	[sflag:s23] =	ssyncset.done $0x0  }
0xaa: {  	s25 =	simm.s32 $0x1B8E;
	s24 =	sld [smem:$0x3FFE];
	[sflag:s23] =	ssyncadd.s32 $0xFFFFFFFF  }
0xab: {  	s26 =	simm.s32 $execute0_lowered;
	[smem:$0x3FD2] =	sst s25  }
0xac: {  	s5 =	sshll.u32 s26, $0x1;
	_ =	strace $0x8000004C;
	[dreg:$0x1] =	wrdreg $0xFFFFFFFF  }
0xad: {  	s28 =	simm.s32 $_size_execute0_lowered;
	s3 =	sadd.s32 s3, s5;
	[dreg:$0x0] =	wrdreg $0x0  }
0xae: {  	s5 =	sshll.u32 s28, $0x1;
	[dreg:$0x2] =	wrdreg s3  }
0xaf: {  	[dreg:$0x3] =	wrdreg s5  }
0xb0: {  	[dreg:$0x4] =	wrdreg $0xC0  }
0xb1: {  	_ =	task [dreg:s7], $0x5FFFF  }
0xb2: {  	[dreg:$0x1] =	wrdreg $0xFFFFFFFF  }
0xb3: {  	[dreg:$0x0] =	wrdreg $0x60  }
0xb4: {  	[dreg:$0x2] =	wrdreg s16  }
0xb5: {  	[dreg:$0x3] =	wrdreg s24  }
0xb6: {  	[dreg:$0x4] =	wrdreg $0x0  }
0xb7: {  	[dreg:$0x5] =	wrdreg $0x9  }
0xb8: {  	_ =	task.clear_ibuf [dreg:s7], $0x6FFFF;
	_ =	strace $0x9000004C  }
0xb9: {  	s29 =	simm.s32 $0x9;
	_ =	strace $0x8000004E  }
0xba: {  	_ =	swait.ge [sflag:s29], $0x1  }
0xbb: {  	[sflag:s29] =	ssyncadd.s32 $0xFFFFFFFF  }
0xbc: {  	_ =	strace $0x9000004E  }
0xbd: {  	_ =	sfence  }
0xbe: {  	s30 =	sld [smem:$0x0];
	_ =	sdelay $0x2  }
0xbf: {  	s31 =	sshll.u32 s1, $0xD;
	s1 =	sshrl.u32 s1, $0x2  }
0xc0: {  	s3 =	sand.u32 $0x4000, s31;
	s1 =	sadd.s32 s1, s30  }
0xc1: {  	s0 =	sor.u32 s3, s0;
	s1 =	sshll.u32 s1, $0x11  }
0xc2: {  	s0 =	sor.u32 s1, s0  }
0xc3: {  	s0 =	sadd.s32 $0x8F2B, s0  }
0xc4: {  	[sflag:s0] =	ssyncadd.remote.s32 $0x1  }
0xc5: {  	_ =	sfence.sel $0xFFFF  }
0xc6: {  	[dreg:$0x0] =	wrdreg $0xFFFFFFFF;
	(pc) =	sbr.abs _section_cstart, $3  }
0xc7: {  	[dreg:$0x1] =	wrdreg $0xFFFFFFFF  }
0xc8: {  	_ =	task.clear_ibuf [dreg:s7], $0x2FFFF;
	_ =	strace $0x9FFFFFFF  }
0xc9: {  	(tm) =	ssettm $0x7FFFFFFF  }
tec
execute0_lowered:
.L_overlay_start_1:
0x0: {  	(tag) =	ssettag $0x1  }
0x1: {  	s1 =	rddreg [dreg:$0x0]  }
0x2: {  	s6 =	rddreg [dreg:$0x1]  }
0x3: {  	s0 =	srdreg.scid;
	s3 =	rddreg [dreg:$0x2]  }
0x4: {  	s4 =	simm.s32 $0x0;
	s15 =	simm.s32 $0x13C00;
	s16 =	simm.s32 $0x1  }
0x5: {  	s17 =	simm.s32 $0x16400;
	s18 =	simm.s32 $0x80;
	s5 =	sand.u32 $0x1, s0  }
0x6: {  	s19 =	simm.s32 $0x18C00;
	s0 =	stileid.u32;
	s8 =	smul.u32 $0x13C000, s5  }
0x7: {  	s22 =	simm.s32 $0x0;
	[smem:$0x7FF] =	sst s4;
	s9 =	smul.u32 $0x13C00, s0  }
0x8: {  	s14 =	sadd.s32 $0x138800, s3;
	s2 =	sshll.u32 s5, $0x4;
	s29 =	smul.u32 $0x4F000, s0  }
0x9: {  	s5 =	ssub.s32 $0x2, s5;
	s11 =	smul.u32 $0x2780, s0;
	p0 =	seq.s32 s0, $0xF  }
0xa: {  	s20 =	sshll.u32 s0, $0x6;
	s2 =	sor.u32 s0, s2;
	s30 =	sshrl.u32 s5, $0x1  }
0xb: {  	s20 =	sor.u32 $0x1C01, s20;
	s7 =	smul.u32 $0x500, s2;
	s2 =	rddreg [dreg:$0x3]  }
0xc: {  	_ =	strace $0x8000004D;
	s28 =	sadd.s32 s9, s8;
	s13 =	ssub.s32 s5, s30  }
0xd: {  	s31 =	sshrl.u32 s29, $0x2;
	s5 =	sadd.s32 s1, s11;
	s11 =	sadd.s32 $0x128400, s3  }
0xe: {  	s21 =	sadd.s32 s31, s3;
	s10 =	sadd.s32 s7, s6;
	s7 =	sshrl.u32 s28, $0x3  }
0xf: {  	s11 =	sshrl.u32 @p0 s11, $0x3;
	s12 =	sadd.s32 s7, s6;
	s6 =	sadd.s32 $0x25080, s1  }
0x10: {  	s7 =	sadd.s32 $0x5BA00, s10;
	s8 =	sadd.s32 $0x2A00, s10;
	s10 =	smax.u32 s13, $0x1  }
0x11: {  	s13 =	sshll.u32 @!p0 s0, $0x6;
	s9 =	sadd.s32 $0x65A00, s12;
	s12 =	sshrl.u32 @p0 s14, $0x3  }
0x12: {  	s13 =	sor.u32 @!p0 $0x1C01, s13;
	s14 =	sshrl.u32 @!p0 s21, $0x3;
	s21 =	sshrl.u32 s21, $0x3  }
.LBB2_1:
0x13: {  	s23 =	simm.s32 @p0 $0x1FC1;
	s24 =	simm.s32 @p0 $0x1  }
0x14: {  	[spmem:s11], [sflag:s23] =	dma.local @p0 [hbm:s6], $0x2080  }
0x15: {  	_ =	swait.ge @p0 [sflag:s24], $0x2080  }
0x16: {  	[sflag:s24] =	ssyncset.done @p0 $0x0  }
0x17: {  	[sflag:s24] =	ssyncadd.s32 @p0 $0xFFFFDF80  }
0x18: {  	[spmem:s12], [sflag:s23] =	dma.local @p0 [hbm:s1], $0x700  }
0x19: {  	_ =	swait.ge @p0 [sflag:s24], $0x700  }
0x1a: {  	[sflag:s24] =	ssyncset.done @p0 $0x0  }
0x1b: {  	s23 =	simm.s32 @!p0 $0x1;
	[sflag:s24] =	ssyncadd.s32 @p0 $0xFFFFF900  }
0x1c: {  	[spmem:s14], [sflag:s13] =	dma.local @!p0 [hbm:s5], $0x2780  }
0x1d: {  	_ =	swait.ge @!p0 [sflag:s23], $0x2780  }
0x1e: {  	[sflag:s23] =	ssyncset.done @!p0 $0x0  }
0x1f: {  	[sflag:s23] =	ssyncadd.s32 @!p0 $0xFFFFD880  }
0x20: {  	[bflag:$0x0] =	sbarrier.arrive $0xFFFF  }
0x21: {  	[tilespmem:s15], [sflag:$0x1] =	stream.linear.gather [hbm4b:s7+s4], $0x2780, $0x38;
	[tilespmem:$0x1CC00] =	vst v63  }
0x22: {  	_ =	swait.ge [sflag:s16], $0x2780  }
0x23: {  	[sflag:s16] =	ssyncset.done $0x0  }
0x24: {  	[sflag:s16] =	ssyncadd.s32 $0xFFFFD880  }
0x25: {  	[tilespmem:s17], [sflag:$0x1] =	stream.linear.gather [hbm4b:s8+s4], $0x2780, $0x38;
	[tilespmem:$0x1CC00] =	vst v63  }
0x26: {  	_ =	swait.ge [sflag:s16], $0x2780  }
0x27: {  	[sflag:s16] =	ssyncset.done $0x0  }
0x28: {  	s30 =	simm.s32 $0x13C00;
	[sflag:s16] =	ssyncadd.s32 $0xFFFFD880  }
0x29: {  	[tilespmem:s19], [sflag:$0x1] =	stream.indirect.gather [hbm4b:s1+s18], $0x80, s30, s18, $0xb8;
	[tilespmem:$0x1CC00] =	vst v63  }
0x2a: {  	_ =	swait.ge [sflag:s16], $0x4000  }
0x2b: {  	[sflag:s16] =	ssyncset.done $0x0  }
0x2c: {  	s31 =	simm.s32 $0x16400;
	[sflag:s16] =	ssyncadd.s32 $0xFFFFC000  }
0x2d: {  	[spmem:s3] =	stream.indirect.scatter.add.f32 [tilespmem:s19], [sflag:$0x1], $0x80, s31, s18, $0xb8;
	[tilespmem:$0x1CC00] =	vst v63  }
0x2e: {  	_ =	swait.ge [sflag:s16], $0x4000  }
0x2f: {  	s24 =	simm.s32 $0x400;
	s23 =	simm.s32 $0x80;
	[sflag:s16] =	ssyncset.done $0x0  }
.LBB2_2:
0x30: {  	s25 =	sadd.s32 $0x13C00, s23  }
0x31: {  	[sflag:s16] =	ssyncadd.s32 $0xFFFFC000;
	s26 =	smov.u32 s24;
	s28 =	sadd.s32 $0x200, s24  }
0x32: {  	[tilespmem:s19], [sflag:$0x1] =	stream.indirect.gather [hbm4b:s1+s18], $0x80, s25, s18, $0xb8;
	[tilespmem:$0x1CC00] =	vst v63  }
0x33: {  	p1 =	sne.s32 s24, $0x9C00;
	_ =	swait.ge [sflag:s16], $0x4000  }
.Ltmp0:
0x34: {  	[sflag:s16] =	ssyncset.done $0x0;
	(pc) =	sbr.rel @p1 .LBB2_2-.Ltmp0, $4  }
0x35: {  	s23 =	sadd.s32 $0x16400, s23;
	[sflag:s16] =	ssyncadd.s32 $0xFFFFC000  }
0x36: {  	[spmem:s3] =	stream.indirect.scatter.add.f32 [tilespmem:s19], [sflag:$0x1], $0x80, s23, s18, $0xb8;
	[tilespmem:$0x1CC00] =	vst v63  }
0x37: {  	_ =	swait.ge [sflag:s16], $0x4000  }
0x38: {  	s24 =	smov.u32 s28;
	s23 =	sshra.s32 s26, $0x2;
	[sflag:s16] =	ssyncset.done $0x0  }
0x39: {  	s24 =	sadd.s32 $0x13C00, s23;
	[sflag:s16] =	ssyncadd.s32 $0xFFFFC000  }
0x3a: {  	[tilespmem:s19], [sflag:$0x1] =	stream.indirect.gather [hbm4b:s1+s18], $0x80, s24, s18, $0xb8;
	[tilespmem:$0x1CC00] =	vst v63  }
0x3b: {  	_ =	swait.ge [sflag:s16], $0x4000  }
0x3c: {  	[sflag:s16] =	ssyncset.done $0x0  }
0x3d: {  	s31 =	sadd.s32 $0x16400, s23;
	[sflag:s16] =	ssyncadd.s32 $0xFFFFC000  }
0x3e: {  	[spmem:s3] =	stream.indirect.scatter.add.f32 [tilespmem:s19], [sflag:$0x1], $0x80, s31, s18, $0xb8;
	[tilespmem:$0x1CC00] =	vst v63  }
0x3f: {  	_ =	swait.ge [sflag:s16], $0x4000  }
0x40: {  	s22 =	sadd.s32 $0x1, s22;
	[sflag:s16] =	ssyncset.done $0x0  }
0x41: {  	p1 =	sne.s32 s22, s10;
	[sflag:s16] =	ssyncadd.s32 $0xFFFFC000  }
.Ltmp1:
0x42: {  	[bflag:$0x0] =	sbarrier.arrive $0xFFFF;
	(pc) =	sbr.rel @p1 .LBB2_1-.Ltmp1, $4  }
0x43: {  	[hbm:s9], [sflag:s20] =	dma.local [spmem:s21], $0x2780  }
0x44: {  	_ =	swait.ge [sflag:s16], $0x2780  }
0x45: {  	[sflag:s16] =	ssyncset.done $0x0  }
0x46: {  	[sflag:s16] =	ssyncadd.s32 $0xFFFFD880  }
0x47: {  	_ =	sfence.sel $0x180000  }
0x48: {  	[bflag:$0x0] =	sbarrier.arrive $0xFFFF  }
0x49: {  	p0 =	sne.s32 s0, $0x0;
	_ =	strace $0x9000004D  }
0x4a: {  	s0 =	sadd.s32 @!p0 $0x100000, s2;
	[bflag:$0x2] =	sbarrier.arrive $0xFFFF  }
0x4b: {  	[sflag:s0] =	ssyncadd.tile.s32 @!p0 $0x1;
	_ =	shalt  }
.Lfunc_end2:
_tile_overlayer_lowered:
.L_overlay_start_2:
0x4c: {  	(tag) =	ssettag $0x2  }
0x4d: {  	s0 =	rddreg [dreg:$0x0];
	s2 =	stileid.u32  }
0x4e: {  	s1 =	rddreg [dreg:$0x1];
	p0 =	sne.s32 s2, $0x0  }
0x4f: {  	s3 =	rddreg [dreg:$0x2];
	[bflag:$0x3] =	sbarrier.arrive $0xFFFF;
	s2 =	simm.s32 @!p0 $0x1C01  }
0x50: {  	[timem:s3], [sflag:s2] =	dma.local @!p0 [hbm:s0], s1  }
0x51: {  	s0 =	simm.s32 @!p0 $0x1  }
0x52: {  	_ =	swait.ge @!p0 [sflag:s0], s1  }
0x53: {  	s1 =	ssub.s32 @!p0 $0x0, s1;
	[sflag:s0] =	ssyncset.done @!p0 $0x0  }
0x54: {  	[sflag:s0] =	ssyncadd.s32 @!p0 s1  }
0x55: {  	[bflag:$0x3] =	sbarrier.arrive $0xFFFF  }
0x56: {  	_ =	shalt  }

// kernel: kernel.8.cloned.1.call-start
scs
__scs_entry_jumppad:
0x0: {  	(pc) =	sbr.rel $0x88, $3  }
0x1: {  	(tag) =	ssettag $0x0;
	lr =	simm.s32 $0x1  }
0x2: {  	[smem:$0x3F99] =	sst lr;
	_ =	strace $0xD0000000  }
0x3: {  	_ = 	snop  }
0x4: {  	_ = 	snop  }
0x5: {  	_ = 	snop  }
0x6: {  	_ = 	snop  }
0x7: {  	_ = 	snop  }
__scs_overlays_trampoline_lowered:
0x8: {  	[smem:$0x3FA8] =	sst s0  }
0x9: {  	[smem:$0x3FA9] =	sst s1  }
0xa: {  	[smem:$0x3FAA] =	sst s2  }
0xb: {  	[smem:$0x3FAB] =	sst s3  }
0xc: {  	[smem:$0x3FAC] =	sst s4  }
0xd: {  	[smem:$0x3FAD] =	sst s5  }
0xe: {  	[smem:$0x3FAE] =	sst s6  }
0xf: {  	[smem:$0x3FAF] =	sst s7  }
0x10: {  	[smem:$0x3FB0] =	sst s8  }
0x11: {  	[smem:$0x3FB1] =	sst s9;
	s0 =	simm.s32 @!p0 $0x0  }
0x12: {  	s1 =	sld [smem:$0x3F97];
	s0 =	simm.s32 @p0 $0x1  }
0x13: {  	[smem:$0x3FB2] =	sst s0;
	s0 =	simm.s32 @!p1 $0x0  }
0x14: {  	s2 =	sld [smem:$0x3F96];
	s0 =	simm.s32 @p1 $0x1  }
0x15: {  	[smem:$0x3FB3] =	sst s0;
	s0 =	simm.s32 @!p2 $0x0  }
0x16: {  	s3 =	sld [smem:$0x3FDB];
	s0 =	simm.s32 @p2 $0x1  }
0x17: {  	s4 =	simm.s32 $0x1BF5;
	[smem:$0x3FB5] =	sst s0  }
0x18: {  	s0 =	sld [smem:$0x3F98];
	_ =	swait.ge [sflag:s4], $0x0  }
0x19: {  	s7 =	sld [smem:$0x3F99]  }
0x1a: {  	s8 =	sadd.s32 $0xFFFFE003, lr  }
0x1b: {  	s9 =	sadd.s32 $0xFFFFFEF7, lr;
	s5 =	simm.s32 $0xFFFFFFFF;
	p2 =	slt.u32 s8, $0xFFFFF086  }
0x1c: {  	p1 =	slt.u32 s9, $0xF7A;
	s5 =	simm.s32 @!p2 $0x0  }
0x1d: {  	s5 =	simm.s32 @p1 $0x1;
	p0 =	seq.s32 s7, s2  }
0x1e: {  	s7 =	smul.u32 @!p0 $0xF7A, s2;
	p2 =	seq.s32 @!p0 s5, $0x0  }
0x1f: {  	s9 =	smul.u32 $0xF7A, s1;
	s8 =	simm.s32 @!p0 $0x1BF5;
	p2 =	por !p2, p0  }
0x20: {  	[sflag:s8] =	ssyncset.s32 @!p0 $0xFFFFF086;
	s6 =	sadd.s32 @!p0 s3, s7;
	s7 =	simm.s32 @!p0 $0x108  }
0x21: {  	s3 =	sadd.s32 s3, s9;
	s6 =	sadd.s32 @!p0 $0x88, s6;
	s7 =	simm.s32 @p2 $0x1082  }
0x22: {  	[simem:s7], [sflag:s8] =	dma.local @!p0 [hbm:s6], $0xF7A  }
0x23: {  	s9 =	sor.u32 $0xD0000000, s2;
	s6 =	simm.s32 $0x108;
	_ =	swait.ge @!p0 [sflag:s8], $0x0  }
0x24: {  	s3 =	sadd.s32 $0x88, s3;
	s6 =	simm.s32 @!p1 $0x1082;
	[sflag:s4] =	ssyncset.s32 $0xFFFFF086  }
0x25: {  	[simem:s6], [sflag:s4] =	dma.local [hbm:s3], $0xF7A  }
0x26: {  	[smem:$0x3F99] =	sst s1;
	(tag) =	ssettag s2;
	_ =	strace s9  }
0x27: {  	s1 =	sld [smem:$0x3FA9]  }
0x28: {  	s2 =	sld [smem:$0x3FAA]  }
0x29: {  	s4 =	sld [smem:$0x3FAC]  }
0x2a: {  	p0 =	seq.s32 s5, $0x0;
	s5 =	sld [smem:$0x3FAD]  }
0x2b: {  	s6 =	sld [smem:$0x3FAE]  }
0x2c: {  	s7 =	sld [smem:$0x3FAF]  }
0x2d: {  	s3 =	simm.s32 $0x108;
	s8 =	sld [smem:$0x3FB0]  }
0x2e: {  	s3 =	simm.s32 @!p0 $0x1082;
	s9 =	sld [smem:$0x3FB1]  }
0x2f: {  	lr =	sadd.s32 s0, s3;
	s0 =	sld [smem:$0x3FA8]  }
0x30: {  	s3 =	sld [smem:$0x3FAB]  }
0x31: {  	[smem:$0x3FB4] =	sst s10  }
0x32: {  	s10 =	sld [smem:$0x3FB2];
	_ =	sdelay $0x3  }
0x33: {  	p0 =	seq.s32 s10, $0x1;
	s10 =	sld [smem:$0x3FB4];
	_ =	sdelay $0x3  }
0x34: {  	[smem:$0x3FB4] =	sst s10  }
0x35: {  	s10 =	sld [smem:$0x3FB3];
	_ =	sdelay $0x3  }
0x36: {  	p1 =	seq.s32 s10, $0x1;
	s10 =	sld [smem:$0x3FB4];
	_ =	sdelay $0x3  }
0x37: {  	[smem:$0x3FB4] =	sst s10  }
0x38: {  	s10 =	sld [smem:$0x3FB5]  }
0x39: {  	_ = 	snop;
	(pc) =	sbr.ind lr, $3  }
0x3a: {  	_ = 	snop  }
0x3b: {  	_ = 	snop  }
0x3c: {  	p2 =	seq.s32 s10, $0x1;
	s10 =	sld [smem:$0x3FB4]  }
0x3d: {  	_ =	shalt  }
0x3e: {  	_ =	shalt  }
0x3f: {  	_ =	shalt  }
0x40: {  	_ =	shalt  }
0x41: {  	_ =	shalt  }
0x42: {  	_ =	shalt  }
0x43: {  	_ =	shalt  }
0x44: {  	_ =	shalt  }
0x45: {  	_ =	shalt  }
0x46: {  	_ =	shalt  }
0x47: {  	_ =	shalt  }
0x48: {  	_ =	shalt  }
0x49: {  	_ =	shalt  }
0x4a: {  	_ =	shalt  }
0x4b: {  	_ =	shalt  }
0x4c: {  	_ =	shalt  }
0x4d: {  	_ =	shalt  }
0x4e: {  	_ =	shalt  }
0x4f: {  	_ =	shalt  }
0x50: {  	_ =	shalt  }
0x51: {  	_ =	shalt  }
0x52: {  	_ =	shalt  }
0x53: {  	_ =	shalt  }
0x54: {  	_ =	shalt  }
0x55: {  	_ =	shalt  }
0x56: {  	_ =	shalt  }
0x57: {  	_ =	shalt  }
0x58: {  	_ =	shalt  }
0x59: {  	_ =	shalt  }
0x5a: {  	_ =	shalt  }
0x5b: {  	_ =	shalt  }
0x5c: {  	_ =	shalt  }
0x5d: {  	_ =	shalt  }
0x5e: {  	_ =	shalt  }
0x5f: {  	_ =	shalt  }
0x60: {  	_ =	shalt  }
0x61: {  	_ =	shalt  }
0x62: {  	_ =	shalt  }
0x63: {  	_ =	shalt  }
0x64: {  	_ =	shalt  }
0x65: {  	_ =	shalt  }
0x66: {  	_ =	shalt  }
0x67: {  	_ =	shalt  }
0x68: {  	_ =	shalt  }
0x69: {  	_ =	shalt  }
0x6a: {  	_ =	shalt  }
0x6b: {  	_ =	shalt  }
0x6c: {  	_ =	shalt  }
0x6d: {  	_ =	shalt  }
0x6e: {  	_ =	shalt  }
0x6f: {  	_ =	shalt  }
0x70: {  	_ =	shalt  }
0x71: {  	_ =	shalt  }
0x72: {  	_ =	shalt  }
0x73: {  	_ =	shalt  }
0x74: {  	_ =	shalt  }
0x75: {  	_ =	shalt  }
0x76: {  	_ =	shalt  }
0x77: {  	_ =	shalt  }
0x78: {  	_ =	shalt  }
0x79: {  	_ =	shalt  }
0x7a: {  	_ =	shalt  }
0x7b: {  	_ =	shalt  }
0x7c: {  	_ =	shalt  }
0x7d: {  	_ =	shalt  }
0x7e: {  	_ =	shalt  }
0x7f: {  	_ =	shalt  }
0x80: {  	_ =	shalt  }
0x81: {  	_ =	shalt  }
0x82: {  	_ =	shalt  }
0x83: {  	_ =	shalt  }
0x84: {  	_ =	shalt  }
0x85: {  	_ =	shalt  }
0x86: {  	_ =	shalt  }
0x87: {  	_ =	shalt  }
.Lfunc_end0:
.L_simem_size_0:
called_computation_lowered:
.L_overlay_start_0:
0x88: {  	s2 =	sld [smem:$0x3FD9]  }
0x89: {  	s3 =	sld [smem:$0x3FFE];
	_ =	sdelay $0x1  }
0x8a: {  	s1 =	srdreg.scid  }
0x8b: {  	s0 =	sand.u32 $0x1, s1  }
0x8c: {  	s16 =	sshll.u32 s0, $0xA;
	s2 =	sadd.s32 s3, s2  }
0x8d: {  	s2 =	sadd.s32 s2, s16  }
0x8e: {  	[smem:$0x3FC0] =	sst s2  }
0x8f: {  	_ = 	snop  }
0x90: {  	(tm) =	ssettm $0x1  }
0x91: {  	s17 =	sld [smem:$0x3FFB];
	_ =	sdelay $0x3  }
0x92: {  	_ =	strace s17  }
0x93: {  	s2 =	sld [smem:$0x3FFC];
	_ =	sdelay $0x3  }
0x94: {  	_ =	strace s2  }
0x95: {  	s2 =	sld [smem:$0x3FFD];
	_ =	sdelay $0x3  }
0x96: {  	_ =	strace s2  }
0x97: {  	_ =	strace $0x8FFFFFFF  }
0x98: {  	s18 =	sld [smem:$0x3FDB];
	_ =	sdelay $0x1  }
0x99: {  	s19 =	simm.s32 $_scs_section_size  }
0x9a: {  	s4 =	simm.s32 $_size__tile_overlayer_lowered;
	s5 =	simm.s32 $_tile_overlayer_lowered  }
0x9b: {  	s22 =	simm.s32 $0x1BFF;
	s21 =	sshll.u32 s5, $0x1;
	s2 =	sadd.s32 s19, s18  }
0x9c: {  	s6 =	simm.s32 $0x0;
	s20 =	sshll.u32 s4, $0x1;
	s4 =	sadd.s32 s21, s2  }
0x9d: {  	[timem:s6], [sflag:s22] =	dma.local [hbm:s4], s20  }
0x9e: {  	_ =	swait.ge [sflag:s22], s20  }
0x9f: {  	s3 =	ssub.s32 $0x0, s20;
	[sflag:s22] =	ssyncset.done $0x0  }
0xa0: {  	[sflag:s22] =	ssyncadd.s32 s3;
	_ =	sdelay $0x1  }
0xa1: {  	s23 =	simm.s32 $0x1B8B  }
0xa2: {  	_ =	swait.ge [sflag:s23], $0x1  }
0xa3: {  	[sflag:s23] =	ssyncset.done $0x0  }
0xa4: {  	s25 =	simm.s32 $0x1B8E;
	s24 =	sld [smem:$0x3FFE];
	[sflag:s23] =	ssyncadd.s32 $0xFFFFFFFF  }
0xa5: {  	s26 =	simm.s32 $execute0_lowered;
	[smem:$0x3FD2] =	sst s25  }
0xa6: {  	s4 =	sshll.u32 s26, $0x1;
	_ =	strace $0x80000046;
	[dreg:$0x1] =	wrdreg $0xFFFFFFFF  }
0xa7: {  	s28 =	simm.s32 $_size_execute0_lowered;
	s2 =	sadd.s32 s2, s4;
	[dreg:$0x0] =	wrdreg $0x0  }
0xa8: {  	s4 =	sshll.u32 s28, $0x1;
	[dreg:$0x2] =	wrdreg s2  }
0xa9: {  	[dreg:$0x3] =	wrdreg s4  }
0xaa: {  	[dreg:$0x4] =	wrdreg $0xC0  }
0xab: {  	_ =	task [dreg:s6], $0x5FFFF  }
0xac: {  	[dreg:$0x1] =	wrdreg $0xFFFFFFFF  }
0xad: {  	[dreg:$0x0] =	wrdreg $0x60  }
0xae: {  	[dreg:$0x2] =	wrdreg s24  }
0xaf: {  	[dreg:$0x3] =	wrdreg $0x0  }
0xb0: {  	[dreg:$0x4] =	wrdreg $0x9  }
0xb1: {  	_ =	task.clear_ibuf [dreg:s6], $0x5FFFF;
	_ =	strace $0x90000046  }
0xb2: {  	s29 =	simm.s32 $0x9;
	_ =	strace $0x80000048  }
0xb3: {  	_ =	swait.ge [sflag:s29], $0x1  }
0xb4: {  	[sflag:s29] =	ssyncadd.s32 $0xFFFFFFFF  }
0xb5: {  	_ =	strace $0x90000048  }
0xb6: {  	_ =	sfence  }
0xb7: {  	s30 =	sld [smem:$0x0];
	_ =	sdelay $0x2  }
0xb8: {  	s31 =	sshll.u32 s1, $0xD;
	s1 =	sshrl.u32 s1, $0x2  }
0xb9: {  	s3 =	sand.u32 $0x4000, s31;
	s1 =	sadd.s32 s1, s30  }
0xba: {  	s0 =	sor.u32 s3, s0;
	s1 =	sshll.u32 s1, $0x11  }
0xbb: {  	s0 =	sor.u32 s1, s0  }
0xbc: {  	s0 =	sadd.s32 $0x8F2B, s0  }
0xbd: {  	[sflag:s0] =	ssyncadd.remote.s32 $0x1  }
0xbe: {  	_ =	sfence.sel $0xFFFF  }
0xbf: {  	[dreg:$0x0] =	wrdreg $0xFFFFFFFF;
	(pc) =	sbr.abs _section_cstart, $3  }
0xc0: {  	[dreg:$0x1] =	wrdreg $0xFFFFFFFF  }
0xc1: {  	_ =	task.clear_ibuf [dreg:s6], $0x2FFFF;
	_ =	strace $0x9FFFFFFF  }
0xc2: {  	(tm) =	ssettm $0x7FFFFFFF  }
0xc3: {  	_ =	shalt  }
tec
execute0_lowered:
.L_overlay_start_1:
0x0: {  	(tag) =	ssettag $0x1  }
0x1: {  	s4 =	rddreg [dreg:$0x0]  }
0x2: {  	s1 =	rddreg [dreg:$0x1]  }
0x3: {  	s2 =	srdreg.scid;
	s0 =	rddreg [dreg:$0x2];
	s3 =	simm.s32 $0x0  }
0x4: {  	s10 =	simm.s32 $0x2780;
	s11 =	simm.s32 $0x80;
	s5 =	sand.u32 $0x1, s2  }
0x5: {  	s12 =	simm.s32 $0x4F80;
	s2 =	stileid.u32;
	s7 =	smul.u32 $0x13C000, s5  }
0x6: {  	[smem:$0x7FF] =	sst s3;
	s6 =	sshll.u32 s5, $0x4;
	s8 =	smul.u32 $0x13C00, s2  }
0x7: {  	_ =	strace $0x80000047;
	s5 =	ssub.s32 $0x2, s5;
	s30 =	smul.u32 $0x4F000, s2  }
0x8: {  	s13 =	sshll.u32 s2, $0x6;
	s6 =	sor.u32 s2, s6;
	s9 =	sshrl.u32 s5, $0x1  }
0x9: {  	s13 =	sor.u32 $0x1C01, s13;
	s6 =	smul.u32 $0x500, s6;
	s7 =	sadd.s32 s8, s7  }
0xa: {  	s9 =	ssub.s32 s5, s9;
	s31 =	sshrl.u32 s30, $0x2;
	s7 =	sshrl.u32 s7, $0x3  }
0xb: {  	s8 =	simm.s32 $0x8F80;
	s6 =	sadd.s32 s6, s4;
	s7 =	sadd.s32 s7, s4  }
0xc: {  	s4 =	sadd.s32 s31, s1;
	s5 =	sadd.s32 $0x2A00, s6;
	s6 =	sadd.s32 $0xCA00, s7  }
0xd: {  	v0 =	vimm.f32 $1.000000000e+00;
	v1 =	vimm.f32 $0.0e+00;
	s7 =	smax.u32 s9, $0x1;
	s9 =	simm.s32 $0x1;
	s14 =	sshrl.u32 s4, $0x3  }
.LBB2_1:
0xe: {  	s15 =	simm.s32 $0x0  }
.LBB2_2:
0xf: {  	p0 =	sne.s32 s15, $0xFE00  }
.Ltmp0:
0x10: {  	_ = 	snop;
	(pc) =	sbr.rel @p0 .LBB2_2-.Ltmp0, $3  }
0x11: {  	_ =	sdelay $0x1  }
0x12: {  	s16 =	sshra.s32 s15, $0x2  }
0x13: {  	s15 =	sadd.s32 $0x200, s15;
	[tilespmem:s16+$0x4F80] =	vst v0  }
0x14: {  	s15 =	simm.s32 $0x200;
	s16 =	simm.s32 $0x0  }
.LBB2_4:
0x15: {  	p0 =	sne.s32 s15, $0x4EE00;
	[tilespmem:s16+$0x8F80] =	vst v1;
	s16 =	smov.u32 s15;
	s15 =	sadd.s32 $0x200, s15  }
.Ltmp1:
0x16: {  	(pc) =	sbr.rel @p0 .LBB2_4-.Ltmp1, $2  }
0x17: {  	_ =	sdelay $0x2  }
0x18: {  	s16 =	sshra.s32 s16, $0x2  }
0x19: {  	[tilespmem:s16+$0x8F80] =	vst v1  }
0x1a: {  	[spmem:s4] =	stream.linear.scatter [tilespmem:s8], [sflag:$0x1], $0x13C00, $0x38;
	[tilespmem:$0x1CB80] =	vst v63  }
0x1b: {  	_ =	swait.ge [sflag:s9], $0x13C00  }
0x1c: {  	[sflag:s9] =	ssyncset.done $0x0  }
0x1d: {  	[sflag:s9] =	ssyncadd.s32 $0xFFFEC400  }
0x1e: {  	s15 =	simm.s32 $0x0;
	[bflag:$0x0] =	sbarrier.arrive $0xFFFF  }
0x1f: {  	[tilespmem:s10], [sflag:$0x1] =	stream.linear.gather [hbm4b:s5+s15], $0x2780, $0x38;
	[tilespmem:$0x1CB80] =	vst v63  }
0x20: {  	_ =	swait.ge [sflag:s9], $0x2780  }
0x21: {  	[sflag:s9] =	ssyncset.done $0x0  }
0x22: {  	s31 =	simm.s32 $0x2780;
	[sflag:s9] =	ssyncadd.s32 $0xFFFFD880  }
0x23: {  	[spmem:s1] =	stream.indirect.scatter.add.f32 [tilespmem:s12], [sflag:$0x1], $0x10, s31, s11, $0xb8;
	[tilespmem:$0x1CB80] =	vst v63  }
0x24: {  	s15 =	simm.s32 $0x200;
	_ =	swait.ge [sflag:s9], $0x800  }
.LBB2_6:
0x25: {  	s16 =	sshra.s32 s15, $0x2;
	[sflag:s9] =	ssyncset.done $0x0;
	p0 =	sne.s32 s15, $0x9C00  }
.Ltmp2:
0x26: {  	s16 =	sadd.s32 $0x2780, s16;
	[sflag:s9] =	ssyncadd.s32 $0xFFFFF800;
	(pc) =	sbr.rel @p0 .LBB2_6-.Ltmp2, $3  }
0x27: {  	[spmem:s1] =	stream.indirect.scatter.add.f32 [tilespmem:s12], [sflag:$0x1], $0x10, s16, s11, $0xb8;
	[tilespmem:$0x1CB80] =	vst v63  }
0x28: {  	s15 =	sadd.s32 $0x200, s15;
	_ =	sdelay $0x1  }
0x29: {  	_ =	swait.ge [sflag:s9], $0x800  }
0x2a: {  	[sflag:s9] =	ssyncset.done $0x0;
	s3 =	sadd.s32 $0x1, s3  }
0x2b: {  	[sflag:s9] =	ssyncadd.s32 $0xFFFFF800;
	p0 =	sne.s32 s3, s7  }
.Ltmp3:
0x2c: {  	[bflag:$0x0] =	sbarrier.arrive $0xFFFF;
	(pc) =	sbr.rel @p0 .LBB2_1-.Ltmp3, $4  }
0x2d: {  	[hbm:s6], [sflag:s13] =	dma.local [spmem:s14], $0x2780  }
0x2e: {  	_ =	swait.ge [sflag:s9], $0x2780  }
0x2f: {  	[sflag:s9] =	ssyncset.done $0x0  }
0x30: {  	[sflag:s9] =	ssyncadd.s32 $0xFFFFD880  }
0x31: {  	_ =	sfence.sel $0x180000  }
0x32: {  	[bflag:$0x0] =	sbarrier.arrive $0xFFFF  }
0x33: {  	p0 =	sne.s32 s2, $0x0;
	_ =	strace $0x90000047  }
0x34: {  	s0 =	sadd.s32 @!p0 $0x100000, s0;
	[bflag:$0x2] =	sbarrier.arrive $0xFFFF  }
0x35: {  	[sflag:s0] =	ssyncadd.tile.s32 @!p0 $0x1;
	_ =	shalt  }
.Lfunc_end2:
_tile_overlayer_lowered:
.L_overlay_start_2:
0x36: {  	(tag) =	ssettag $0x2  }
0x37: {  	s0 =	rddreg [dreg:$0x0];
	s2 =	stileid.u32  }
0x38: {  	s1 =	rddreg [dreg:$0x1];
	p0 =	sne.s32 s2, $0x0  }
0x39: {  	s3 =	rddreg [dreg:$0x2];
	[bflag:$0x3] =	sbarrier.arrive $0xFFFF;
	s2 =	simm.s32 @!p0 $0x1C01  }
0x3a: {  	[timem:s3], [sflag:s2] =	dma.local @!p0 [hbm:s0], s1  }
0x3b: {  	s0 =	simm.s32 @!p0 $0x1  }
0x3c: {  	_ =	swait.ge @!p0 [sflag:s0], s1  }
0x3d: {  	s1 =	ssub.s32 @!p0 $0x0, s1;
	[sflag:s0] =	ssyncset.done @!p0 $0x0  }
0x3e: {  	[sflag:s0] =	ssyncadd.s32 @!p0 s1  }
0x3f: {  	[bflag:$0x3] =	sbarrier.arrive $0xFFFF  }
0x40: {  	_ =	shalt  }

</sc_bundles>
